<compile_context>
chip_gen: v7x
topology: tpu7x:2x2x1
jax: 0.10.2.dev20260603
libtpu: 0.0.44.dev20260713+nightly
codegen_flags: <defaults>
</compile_context>

<pallas_src>
import functools

import jax
import jax.numpy as jnp
from jax import lax
from jax.experimental import pallas as pl
from jax.experimental.pallas import tpu as pltpu
from jax.experimental.pallas import tpu_sc as plsc

_LANES = 16


def _seg_body(idx_hbm, tab_hbm, out_hbm, idx_v, tab_v, st0, st1, sem0, sem1,
              *, n_t, n_b, segs_per_w, nc):
    n_bt = n_b // 128
    chunk_bt = 32
    chunk_w = chunk_bt * 1024
    n_chunks = n_bt // chunk_bt
    groups = chunk_w // 128

    wid = lax.axis_index("s") * nc + lax.axis_index("c")
    pltpu.sync_copy(tab_hbm, tab_v)
    s0 = wid * segs_per_w

    def seg_loop(sl, prev_t):
        s = s0 + sl
        t = s // 8
        dt = s % 8

        @pl.when(t != prev_t)
        def _():
            pltpu.sync_copy(idx_hbm.at[t], idx_v)
        seg_base = t * (64 * n_b) + dt * (8 * n_b)
        d_base = dt * 128
        zero16 = jnp.zeros((_LANES,), jnp.int32)
        bvecs = [zero16 + (d_base + di * _LANES) for di in range(8)]

        def pair_loop(p, carry2):
            for b, st, sem in ((0, st0, sem0), (1, st1, sem1)):
                c = p * 2 + b

                @pl.when((sl > 0) | (p > 0))
                def _():
                    pltpu.make_async_copy(
                        st, out_hbm.at[pl.ds(0, chunk_w)], sem).wait()

                @plsc.parallel_loop(0, groups, unroll=8)
                def _(g):
                    gg = c * groups + g
                    idxv = idx_v[pl.ds(gg * _LANES, _LANES)]
                    off0 = (g // 8) * 1024 + (g % 8) * _LANES
                    for di in range(8):
                        val = plsc.load_gather(tab_v, [idxv + bvecs[di]])
                        st[pl.ds(off0 + di * 128, _LANES)] = val
                pltpu.async_copy(
                    st, out_hbm.at[pl.ds(seg_base + c * chunk_w, chunk_w)],
                    sem)
            return carry2

        lax.fori_loop(0, n_chunks // 2, pair_loop, 0)
        return t

    lax.fori_loop(0, segs_per_w, seg_loop, jnp.int32(-1))
    for st, sem in ((st0, sem0), (st1, sem1)):
        pltpu.make_async_copy(st, out_hbm.at[pl.ds(0, chunk_w)], sem).wait()


def _make_sc_kernel(n_b, n_t, d):
    info = plsc.get_sparse_core_info()
    nc, ns = info.num_cores, info.num_subcores
    nw = nc * ns
    n_seg = n_t * (d // 8)
    assert n_seg % nw == 0 and n_b % 2048 == 0
    segs_per_w = n_seg // nw
    chunk_w = 32 * 1024

    mesh = plsc.VectorSubcoreMesh(core_axis_name="c", subcore_axis_name="s")
    return pl.kernel(
        functools.partial(_seg_body, n_t=n_t, n_b=n_b,
                          segs_per_w=segs_per_w, nc=nc),
        mesh=mesh,
        out_type=jax.ShapeDtypeStruct((n_b * n_t * d,), jnp.float32),
        scratch_types=[
            pltpu.VMEM((n_b,), jnp.int32),
            pltpu.VMEM((d * _LANES,), jnp.float32),
            pltpu.VMEM((chunk_w,), jnp.float32),
            pltpu.VMEM((chunk_w,), jnp.float32),
            pltpu.SemaphoreType.DMA,
            pltpu.SemaphoreType.DMA,
        ],
        compiler_params=pltpu.CompilerParams(use_tc_tiling_on_sc=False,
                                             needs_layout_passes=False),
    )


def kernel(inputs, embedding_table):
    n_b, n_t = inputs.shape
    v, d = embedding_table.shape
    idx_t = inputs.T.astype(jnp.int32)
    tab_t = jnp.pad(embedding_table.T.astype(jnp.float32),
                    ((0, 0), (0, _LANES - v))).reshape(-1)
    flat = _make_sc_kernel(n_b, n_t, d)(idx_t, tab_t)
    out5 = flat.reshape(n_t, d // 8, n_b // 128, 8, 128)
    return out5.transpose(2, 4, 0, 1, 3).reshape(n_b, n_t, d)

# --- scband reference (transcript-rebuilt; emitter-appended) ---
"""Pipeline reference for scband-context-encoder-65618510348816 (READ-ONLY COPY).

The authoritative reference and input builder live on the scoring server;
editing this copy changes nothing except your own understanding.
"""

import jax, jax.numpy as jnp
import numpy as np


def setup_inputs(seed: int = 0) -> dict:
    key = jax.random.key(seed)
    k_idx, k_emb = jax.random.split(key)
    inputs = jax.random.randint(k_idx, (16384, 100), 0, 13, dtype=jnp.int64)
    # nn.Embedding default init: N(0, 1)
    embedding_table = jax.random.normal(k_emb, (13, 64), dtype=jnp.float32)
    return {"inputs": inputs, "embedding_table": embedding_table}


def reference(inputs, embedding_table):
    # Faithful translation of nn.Embedding(13, embedding_dim) lookup
    return jnp.take(embedding_table, inputs, axis=0)

if __name__ == "__main__":
    import jax
    _d = setup_inputs()
    print(jax.jit(kernel)(*tuple(_d.values())))

</pallas_src>

<mosaic_0001>
#map = affine_map<(d0, d1) -> (0, 0)>
#map1 = affine_map<(d0, d1) -> (0)>
module attributes {stable_mosaic.version = 14 : i64} {
  func.func @_seg_body(%arg0: i32, %arg1: i32, %arg2: memref<100x16384xi32, #tpu.memory_space<hbm>>, %arg3: memref<1024xf32, #tpu.memory_space<hbm>>, %arg4: memref<104857600xf32, #tpu.memory_space<hbm>>, %arg5: memref<16384xi32, #tpu.memory_space<vmem>>, %arg6: memref<1024xf32, #tpu.memory_space<vmem>>, %arg7: memref<32768xf32, #tpu.memory_space<vmem>>, %arg8: memref<32768xf32, #tpu.memory_space<vmem>>, %arg9: memref<!tpu.dma_semaphore, #tpu.memory_space<semaphore_mem>>, %arg10: memref<!tpu.dma_semaphore, #tpu.memory_space<semaphore_mem>>) attributes {dimension_semantics = [#tpu.dimension_semantics<core_parallel>, #tpu.dimension_semantics<subcore_parallel>], iteration_bounds = array<i64: 2, 16>, scalar_prefetch = 0 : i64, scratch_operands = 6 : i64, tpu.core_type = #tpu.core_type<sc_vector_subcore>, window_params = [{transform_indices = #map}, {transform_indices = #map1}, {transform_indices = #map1}]} {
    %mul3A = arith.constant 2 : i32
    %mul3A_0 = arith.muli %arg1, %mul3A : i32
    %add3A = arith.addi %mul3A_0, %arg0 : i32
    "tpu.region"() ({
      %run_scoped3A = tpu.sem_alloc : memref<!tpu.dma_semaphore, #tpu.memory_space<semaphore_mem>>
      tpu.enqueue_dma source(%arg3 : memref<1024xf32, #tpu.memory_space<hbm>>) target(%arg6 : memref<1024xf32, #tpu.memory_space<vmem>>) target_semaphore(%run_scoped3A : memref<!tpu.dma_semaphore, #tpu.memory_space<semaphore_mem>>)
      tpu.wait_dma2 semaphore(%run_scoped3A : memref<!tpu.dma_semaphore, #tpu.memory_space<semaphore_mem>>) src(%arg3 : memref<1024xf32, #tpu.memory_space<hbm>>) dst(%arg6 : memref<1024xf32, #tpu.memory_space<vmem>>)
      tpu.yield
    }) : () -> ()
    %mul3A_1 = arith.constant 25 : i32
    %mul3A_2 = arith.muli %add3A, %mul3A_1 : i32
    %scan3A = arith.constant -1 : i32
    %scan3A_3 = arith.constant 0 : i32
    %scan3A_4 = arith.constant 25 : i32
    %scan3A_5 = arith.addi %scan3A_3, %scan3A_4 : i32
    %scan3A_6 = arith.constant 1 : i32
    %scan3A_7 = scf.for %scan3A_16 = %scan3A_3 to %scan3A_5 step %scan3A_6 iter_args(%scan3A_17 = %scan3A) -> (i32)  : i32 {
      %add3A_18 = arith.addi %mul3A_2, %scan3A_16 : i32
      %jit3A = arith.constant 8 : i32
      %div3A = arith.divsi %add3A_18, %jit3A : i32
      %sign3A = arith.constant 0 : i32
      %sign3A_19 = arith.cmpi sgt, %add3A_18, %sign3A : i32
      %sign3A_20 = arith.extui %sign3A_19 : i1 to i32
      %sign3A_21 = arith.constant 0 : i32
      %sign3A_22 = arith.cmpi slt, %add3A_18, %sign3A_21 : i32
      %sign3A_23 = arith.extui %sign3A_22 : i1 to i32
      %sign3A_24 = arith.subi %sign3A_20, %sign3A_23 : i32
      %sign3A_25 = arith.constant 0 : i32
      %sign3A_26 = arith.cmpi sgt, %jit3A, %sign3A_25 : i32
      %sign3A_27 = arith.extui %sign3A_26 : i1 to i32
      %sign3A_28 = arith.constant 0 : i32
      %sign3A_29 = arith.cmpi slt, %jit3A, %sign3A_28 : i32
      %sign3A_30 = arith.extui %sign3A_29 : i1 to i32
      %sign3A_31 = arith.subi %sign3A_27, %sign3A_30 : i32
      %ne3A = arith.cmpi ne, %sign3A_24, %sign3A_31 : i32
      %rem3A = arith.remsi %add3A_18, %jit3A : i32
      %ne3A_32 = arith.constant 0 : i32
      %ne3A_33 = arith.cmpi ne, %rem3A, %ne3A_32 : i32
      %and3A = arith.andi %ne3A, %ne3A_33 : i1
      %sub3A = arith.constant 1 : i32
      %sub3A_34 = arith.subi %div3A, %sub3A : i32
      %select_n3A = arith.select %and3A, %sub3A_34, %div3A : i32
      %jit3A_35 = arith.constant 8 : i32
      %eq3A = arith.constant 0 : i32
      %eq3A_36 = arith.cmpi eq, %jit3A_35, %eq3A : i32
      %jit3A_37 = arith.constant 1 : i32
      %select_n3A_38 = arith.select %eq3A_36, %jit3A_37, %jit3A_35 : i32
      %rem3A_39 = arith.remsi %add3A_18, %select_n3A_38 : i32
      %ne3A_40 = arith.constant 0 : i32
      %ne3A_41 = arith.cmpi ne, %rem3A_39, %ne3A_40 : i32
      %lt3A = arith.constant 0 : i32
      %lt3A_42 = arith.cmpi slt, %rem3A_39, %lt3A : i32
      %lt3A_43 = arith.constant 0 : i32
      %lt3A_44 = arith.cmpi slt, %select_n3A_38, %lt3A_43 : i32
      %ne3A_45 = arith.xori %lt3A_42, %lt3A_44 : i1
      %and3A_46 = arith.andi %ne3A_45, %ne3A_41 : i1
      %add3A_47 = arith.addi %rem3A_39, %select_n3A_38 : i32
      %select_n3A_48 = arith.select %and3A_46, %add3A_47, %rem3A_39 : i32
      %ne3A_49 = arith.cmpi ne, %select_n3A, %scan3A_17 : i32
      %convert_element_type3A = arith.extui %ne3A_49 : i1 to i32
      %cond3A = arith.constant 0 : i32
      %cond3A_50 = arith.cmpi ne, %convert_element_type3A, %cond3A : i32
      scf.if %cond3A_50 {
        "tpu.region"() ({
          %run_scoped3A = tpu.sem_alloc : memref<!tpu.dma_semaphore, #tpu.memory_space<semaphore_mem>>
          %dma_start3A = arith.constant 0 : i32
          %dma_start3A_97 = tpu.memref_slice %arg2[%select_n3A, %dma_start3A] : memref<100x16384xi32, #tpu.memory_space<hbm>> -> memref<1x16384xi32, #tpu.memory_space<hbm>>
          %dma_start3A_98 = tpu.memref_squeeze %dma_start3A_97 : memref<1x16384xi32, #tpu.memory_space<hbm>> -> memref<16384xi32, #tpu.memory_space<hbm>>
          %dma_start3A_99 = arith.constant 0 : i32
          %dma_start3A_100 = tpu.memref_slice %arg2[%select_n3A, %dma_start3A_99] : memref<100x16384xi32, #tpu.memory_space<hbm>> -> memref<1x16384xi32, #tpu.memory_space<hbm>>
          %dma_start3A_101 = tpu.memref_squeeze %dma_start3A_100 : memref<1x16384xi32, #tpu.memory_space<hbm>> -> memref<16384xi32, #tpu.memory_space<hbm>>
          tpu.enqueue_dma source(%dma_start3A_101 : memref<16384xi32, #tpu.memory_space<hbm>>) target(%arg5 : memref<16384xi32, #tpu.memory_space<vmem>>) target_semaphore(%run_scoped3A : memref<!tpu.dma_semaphore, #tpu.memory_space<semaphore_mem>>)
          %dma_wait3A_102 = arith.constant 0 : i32
          %dma_wait3A_103 = tpu.memref_slice %arg2[%select_n3A, %dma_wait3A_102] : memref<100x16384xi32, #tpu.memory_space<hbm>> -> memref<1x16384xi32, #tpu.memory_space<hbm>>
          %dma_wait3A_104 = tpu.memref_squeeze %dma_wait3A_103 : memref<1x16384xi32, #tpu.memory_space<hbm>> -> memref<16384xi32, #tpu.memory_space<hbm>>
          %dma_wait3A_105 = arith.constant 0 : i32
          %dma_wait3A_106 = tpu.memref_slice %arg2[%select_n3A, %dma_wait3A_105] : memref<100x16384xi32, #tpu.memory_space<hbm>> -> memref<1x16384xi32, #tpu.memory_space<hbm>>
          %dma_wait3A_107 = tpu.memref_squeeze %dma_wait3A_106 : memref<1x16384xi32, #tpu.memory_space<hbm>> -> memref<16384xi32, #tpu.memory_space<hbm>>
          tpu.wait_dma2 semaphore(%run_scoped3A : memref<!tpu.dma_semaphore, #tpu.memory_space<semaphore_mem>>) src(%dma_wait3A_107 : memref<16384xi32, #tpu.memory_space<hbm>>) dst(%arg5 : memref<16384xi32, #tpu.memory_space<vmem>>)
          tpu.yield
        }) : () -> ()
      } else {
      }
      %mul3A_51 = arith.constant 1048576 : i32
      %mul3A_52 = arith.muli %select_n3A, %mul3A_51 : i32
      %mul3A_53 = arith.constant 131072 : i32
      %mul3A_54 = arith.muli %select_n3A_48, %mul3A_53 : i32
      %add3A_55 = arith.addi %mul3A_52, %mul3A_54 : i32
      %mul3A_56 = arith.constant 128 : i32
      %mul3A_57 = arith.muli %select_n3A_48, %mul3A_56 : i32
      %broadcast_in_dim3A = arith.constant 0 : i32
      %broadcast_in_dim3A_58 = vector.broadcast %broadcast_in_dim3A : i32 to vector<16xi32>
      %add3A_59 = arith.constant 0 : i32
      %add3A_60 = arith.addi %mul3A_57, %add3A_59 : i32
      %add3A_61 = vector.broadcast %add3A_60 : i32 to vector<16xi32>
      %add3A_62 = arith.addi %broadcast_in_dim3A_58, %add3A_61 : vector<16xi32>
      %add3A_63 = arith.constant 16 : i32
      %add3A_64 = arith.addi %mul3A_57, %add3A_63 : i32
      %add3A_65 = vector.broadcast %add3A_64 : i32 to vector<16xi32>
      %add3A_66 = arith.addi %broadcast_in_dim3A_58, %add3A_65 : vector<16xi32>
      %add3A_67 = arith.constant 32 : i32
      %add3A_68 = arith.addi %mul3A_57, %add3A_67 : i32
      %add3A_69 = vector.broadcast %add3A_68 : i32 to vector<16xi32>
      %add3A_70 = arith.addi %broadcast_in_dim3A_58, %add3A_69 : vector<16xi32>
      %add3A_71 = arith.constant 48 : i32
      %add3A_72 = arith.addi %mul3A_57, %add3A_71 : i32
      %add3A_73 = vector.broadcast %add3A_72 : i32 to vector<16xi32>
      %add3A_74 = arith.addi %broadcast_in_dim3A_58, %add3A_73 : vector<16xi32>
      %add3A_75 = arith.constant 64 : i32
      %add3A_76 = arith.addi %mul3A_57, %add3A_75 : i32
      %add3A_77 = vector.broadcast %add3A_76 : i32 to vector<16xi32>
      %add3A_78 = arith.addi %broadcast_in_dim3A_58, %add3A_77 : vector<16xi32>
      %add3A_79 = arith.constant 80 : i32
      %add3A_80 = arith.addi %mul3A_57, %add3A_79 : i32
      %add3A_81 = vector.broadcast %add3A_80 : i32 to vector<16xi32>
      %add3A_82 = arith.addi %broadcast_in_dim3A_58, %add3A_81 : vector<16xi32>
      %add3A_83 = arith.constant 96 : i32
      %add3A_84 = arith.addi %mul3A_57, %add3A_83 : i32
      %add3A_85 = vector.broadcast %add3A_84 : i32 to vector<16xi32>
      %add3A_86 = arith.addi %broadcast_in_dim3A_58, %add3A_85 : vector<16xi32>
      %add3A_87 = arith.constant 112 : i32
      %add3A_88 = arith.addi %mul3A_57, %add3A_87 : i32
      %add3A_89 = vector.broadcast %add3A_88 : i32 to vector<16xi32>
      %add3A_90 = arith.addi %broadcast_in_dim3A_58, %add3A_89 : vector<16xi32>
      %scan3A_91 = arith.constant 0 : i32
      %scan3A_92 = arith.constant 0 : i32
      %scan3A_93 = arith.constant 2 : i32
      %scan3A_94 = arith.addi %scan3A_92, %scan3A_93 : i32
      %scan3A_95 = arith.constant 1 : i32
      scf.for %scan3A_97 = %scan3A_92 to %scan3A_94 step %scan3A_95  : i32 {
        %mul3A_98 = arith.constant 2 : i32
        %mul3A_99 = arith.muli %scan3A_97, %mul3A_98 : i32
        %add3A_100 = arith.constant 0 : i32
        %add3A_101 = arith.addi %mul3A_99, %add3A_100 : i32
        %gt3A = arith.constant 0 : i32
        %gt3A_102 = arith.cmpi sgt, %scan3A_16, %gt3A : i32
        %gt3A_103 = arith.constant 0 : i32
        %gt3A_104 = arith.cmpi sgt, %scan3A_97, %gt3A_103 : i32
        %or3A = arith.ori %gt3A_102, %gt3A_104 : i1
        %convert_element_type3A_105 = arith.extui %or3A : i1 to i32
        %cond3A_106 = arith.constant 0 : i32
        %cond3A_107 = arith.cmpi ne, %convert_element_type3A_105, %cond3A_106 : i32
        scf.if %cond3A_107 {
          %dma_wait3A_134 = arith.constant 0 : i32
          %dma_wait3A_135 = tpu.memref_slice %arg4[%dma_wait3A_134] : memref<104857600xf32, #tpu.memory_space<hbm>> -> memref<32768xf32, #tpu.memory_space<hbm>>
          %dma_wait3A_136 = arith.constant 0 : i32
          %dma_wait3A_137 = tpu.memref_slice %arg4[%dma_wait3A_136] : memref<104857600xf32, #tpu.memory_space<hbm>> -> memref<32768xf32, #tpu.memory_space<hbm>>
          tpu.wait_dma2 semaphore(%arg9 : memref<!tpu.dma_semaphore, #tpu.memory_space<semaphore_mem>>) src(%arg7 : memref<32768xf32, #tpu.memory_space<vmem>>) dst(%dma_wait3A_137 : memref<32768xf32, #tpu.memory_space<hbm>>)
        } else {
        }
        %parallel_loop3A = arith.constant 0 : i32
        %parallel_loop3A_108 = arith.constant 256 : i32
        %parallel_loop3A_109 = arith.constant 1 : i32
        scf.for %parallel_loop3A_134 = %parallel_loop3A to %parallel_loop3A_108 step %parallel_loop3A_109  : i32 {
          %parallel_loop3A_135 = arith.constant 256 : i32
          %parallel_loop3A_136 = arith.muli %add3A_101, %parallel_loop3A_135 : i32
          %parallel_loop3A_137 = arith.addi %parallel_loop3A_136, %parallel_loop3A_134 : i32
          %parallel_loop3A_138 = arith.constant 16 : i32
          %parallel_loop3A_139 = arith.muli %parallel_loop3A_137, %parallel_loop3A_138 : i32
          %parallel_loop3A_140 = arith.index_cast %parallel_loop3A_139 : i32 to index
          %parallel_loop3A_141 = tpu.vector_load %arg5[%parallel_loop3A_140] {strides = array<i32>} : memref<16384xi32, #tpu.memory_space<vmem>>, vector<16xi32>,
          %parallel_loop3A_142 = arith.constant 8 : i32
          %parallel_loop3A_143 = arith.divsi %parallel_loop3A_134, %parallel_loop3A_142 : i32
          %parallel_loop3A_144 = arith.constant 0 : i32
          %parallel_loop3A_145 = arith.cmpi sgt, %parallel_loop3A_134, %parallel_loop3A_144 : i32
          %parallel_loop3A_146 = arith.extui %parallel_loop3A_145 : i1 to i32
          %parallel_loop3A_147 = arith.constant 0 : i32
          %parallel_loop3A_148 = arith.cmpi slt, %parallel_loop3A_134, %parallel_loop3A_147 : i32
          %parallel_loop3A_149 = arith.extui %parallel_loop3A_148 : i1 to i32
          %parallel_loop3A_150 = arith.subi %parallel_loop3A_146, %parallel_loop3A_149 : i32
          %parallel_loop3A_151 = arith.constant 0 : i32
          %parallel_loop3A_152 = arith.cmpi sgt, %parallel_loop3A_142, %parallel_loop3A_151 : i32
          %parallel_loop3A_153 = arith.extui %parallel_loop3A_152 : i1 to i32
          %parallel_loop3A_154 = arith.constant 0 : i32
          %parallel_loop3A_155 = arith.cmpi slt, %parallel_loop3A_142, %parallel_loop3A_154 : i32
          %parallel_loop3A_156 = arith.extui %parallel_loop3A_155 : i1 to i32
          %parallel_loop3A_157 = arith.subi %parallel_loop3A_153, %parallel_loop3A_156 : i32
          %parallel_loop3A_158 = arith.cmpi ne, %parallel_loop3A_150, %parallel_loop3A_157 : i32
          %parallel_loop3A_159 = arith.remsi %parallel_loop3A_134, %parallel_loop3A_142 : i32
          %parallel_loop3A_160 = arith.constant 0 : i32
          %parallel_loop3A_161 = arith.cmpi ne, %parallel_loop3A_159, %parallel_loop3A_160 : i32
          %parallel_loop3A_162 = arith.andi %parallel_loop3A_158, %parallel_loop3A_161 : i1
          %parallel_loop3A_163 = arith.constant 1 : i32
          %parallel_loop3A_164 = arith.subi %parallel_loop3A_143, %parallel_loop3A_163 : i32
          %parallel_loop3A_165 = arith.select %parallel_loop3A_162, %parallel_loop3A_164, %parallel_loop3A_143 : i32
          %parallel_loop3A_166 = arith.constant 1024 : i32
          %parallel_loop3A_167 = arith.muli %parallel_loop3A_165, %parallel_loop3A_166 : i32
          %parallel_loop3A_168 = arith.constant 8 : i32
          %parallel_loop3A_169 = arith.constant 0 : i32
          %parallel_loop3A_170 = arith.cmpi eq, %parallel_loop3A_168, %parallel_loop3A_169 : i32
          %parallel_loop3A_171 = arith.constant 1 : i32
          %parallel_loop3A_172 = arith.select %parallel_loop3A_170, %parallel_loop3A_171, %parallel_loop3A_168 : i32
          %parallel_loop3A_173 = arith.remsi %parallel_loop3A_134, %parallel_loop3A_172 : i32
          %parallel_loop3A_174 = arith.constant 0 : i32
          %parallel_loop3A_175 = arith.cmpi ne, %parallel_loop3A_173, %parallel_loop3A_174 : i32
          %parallel_loop3A_176 = arith.constant 0 : i32
          %parallel_loop3A_177 = arith.cmpi slt, %parallel_loop3A_173, %parallel_loop3A_176 : i32
          %parallel_loop3A_178 = arith.constant 0 : i32
          %parallel_loop3A_179 = arith.cmpi slt, %parallel_loop3A_172, %parallel_loop3A_178 : i32
          %parallel_loop3A_180 = arith.xori %parallel_loop3A_177, %parallel_loop3A_179 : i1
          %parallel_loop3A_181 = arith.andi %parallel_loop3A_180, %parallel_loop3A_175 : i1
          %parallel_loop3A_182 = arith.addi %parallel_loop3A_173, %parallel_loop3A_172 : i32
          %parallel_loop3A_183 = arith.select %parallel_loop3A_181, %parallel_loop3A_182, %parallel_loop3A_173 : i32
          %parallel_loop3A_184 = arith.constant 16 : i32
          %parallel_loop3A_185 = arith.muli %parallel_loop3A_183, %parallel_loop3A_184 : i32
          %parallel_loop3A_186 = arith.addi %parallel_loop3A_167, %parallel_loop3A_185 : i32
          %parallel_loop3A_187 = arith.addi %parallel_loop3A_141, %add3A_62 : vector<16xi32>
          %parallel_loop3A_188 = tpu.vector_load_idx %arg6[%parallel_loop3A_187] : memref<1024xf32, #tpu.memory_space<vmem>>[vector<16xi32>], vector<16xf32>,
          %parallel_loop3A_189 = arith.constant 0 : i32
          %parallel_loop3A_190 = arith.addi %parallel_loop3A_186, %parallel_loop3A_189 : i32
          %parallel_loop3A_191 = arith.index_cast %parallel_loop3A_190 : i32 to index
          %parallel_loop3A_192 = tpu.vector_load %arg7[%parallel_loop3A_191] {strides = array<i32>} : memref<32768xf32, #tpu.memory_space<vmem>>, vector<16xf32>,
          tpu.vector_store %arg7[%parallel_loop3A_191], %parallel_loop3A_188 {strides = array<i32>} : memref<32768xf32, #tpu.memory_space<vmem>>, vector<16xf32>,
          %parallel_loop3A_193 = arith.addi %parallel_loop3A_141, %add3A_66 : vector<16xi32>
          %parallel_loop3A_194 = tpu.vector_load_idx %arg6[%parallel_loop3A_193] : memref<1024xf32, #tpu.memory_space<vmem>>[vector<16xi32>], vector<16xf32>,
          %parallel_loop3A_195 = arith.constant 128 : i32
          %parallel_loop3A_196 = arith.addi %parallel_loop3A_186, %parallel_loop3A_195 : i32
          %parallel_loop3A_197 = arith.index_cast %parallel_loop3A_196 : i32 to index
          %parallel_loop3A_198 = tpu.vector_load %arg7[%parallel_loop3A_197] {strides = array<i32>} : memref<32768xf32, #tpu.memory_space<vmem>>, vector<16xf32>,
          tpu.vector_store %arg7[%parallel_loop3A_197], %parallel_loop3A_194 {strides = array<i32>} : memref<32768xf32, #tpu.memory_space<vmem>>, vector<16xf32>,
          %parallel_loop3A_199 = arith.addi %parallel_loop3A_141, %add3A_70 : vector<16xi32>
          %parallel_loop3A_200 = tpu.vector_load_idx %arg6[%parallel_loop3A_199] : memref<1024xf32, #tpu.memory_space<vmem>>[vector<16xi32>], vector<16xf32>,
          %parallel_loop3A_201 = arith.constant 256 : i32
          %parallel_loop3A_202 = arith.addi %parallel_loop3A_186, %parallel_loop3A_201 : i32
          %parallel_loop3A_203 = arith.index_cast %parallel_loop3A_202 : i32 to index
          %parallel_loop3A_204 = tpu.vector_load %arg7[%parallel_loop3A_203] {strides = array<i32>} : memref<32768xf32, #tpu.memory_space<vmem>>, vector<16xf32>,
          tpu.vector_store %arg7[%parallel_loop3A_203], %parallel_loop3A_200 {strides = array<i32>} : memref<32768xf32, #tpu.memory_space<vmem>>, vector<16xf32>,
          %parallel_loop3A_205 = arith.addi %parallel_loop3A_141, %add3A_74 : vector<16xi32>
          %parallel_loop3A_206 = tpu.vector_load_idx %arg6[%parallel_loop3A_205] : memref<1024xf32, #tpu.memory_space<vmem>>[vector<16xi32>], vector<16xf32>,
          %parallel_loop3A_207 = arith.constant 384 : i32
          %parallel_loop3A_208 = arith.addi %parallel_loop3A_186, %parallel_loop3A_207 : i32
          %parallel_loop3A_209 = arith.index_cast %parallel_loop3A_208 : i32 to index
          %parallel_loop3A_210 = tpu.vector_load %arg7[%parallel_loop3A_209] {strides = array<i32>} : memref<32768xf32, #tpu.memory_space<vmem>>, vector<16xf32>,
          tpu.vector_store %arg7[%parallel_loop3A_209], %parallel_loop3A_206 {strides = array<i32>} : memref<32768xf32, #tpu.memory_space<vmem>>, vector<16xf32>,
          %parallel_loop3A_211 = arith.addi %parallel_loop3A_141, %add3A_78 : vector<16xi32>
          %parallel_loop3A_212 = tpu.vector_load_idx %arg6[%parallel_loop3A_211] : memref<1024xf32, #tpu.memory_space<vmem>>[vector<16xi32>], vector<16xf32>,
          %parallel_loop3A_213 = arith.constant 512 : i32
          %parallel_loop3A_214 = arith.addi %parallel_loop3A_186, %parallel_loop3A_213 : i32
          %parallel_loop3A_215 = arith.index_cast %parallel_loop3A_214 : i32 to index
          %parallel_loop3A_216 = tpu.vector_load %arg7[%parallel_loop3A_215] {strides = array<i32>} : memref<32768xf32, #tpu.memory_space<vmem>>, vector<16xf32>,
          tpu.vector_store %arg7[%parallel_loop3A_215], %parallel_loop3A_212 {strides = array<i32>} : memref<32768xf32, #tpu.memory_space<vmem>>, vector<16xf32>,
          %parallel_loop3A_217 = arith.addi %parallel_loop3A_141, %add3A_82 : vector<16xi32>
          %parallel_loop3A_218 = tpu.vector_load_idx %arg6[%parallel_loop3A_217] : memref<1024xf32, #tpu.memory_space<vmem>>[vector<16xi32>], vector<16xf32>,
          %parallel_loop3A_219 = arith.constant 640 : i32
          %parallel_loop3A_220 = arith.addi %parallel_loop3A_186, %parallel_loop3A_219 : i32
          %parallel_loop3A_221 = arith.index_cast %parallel_loop3A_220 : i32 to index
          %parallel_loop3A_222 = tpu.vector_load %arg7[%parallel_loop3A_221] {strides = array<i32>} : memref<32768xf32, #tpu.memory_space<vmem>>, vector<16xf32>,
          tpu.vector_store %arg7[%parallel_loop3A_221], %parallel_loop3A_218 {strides = array<i32>} : memref<32768xf32, #tpu.memory_space<vmem>>, vector<16xf32>,
          %parallel_loop3A_223 = arith.addi %parallel_loop3A_141, %add3A_86 : vector<16xi32>
          %parallel_loop3A_224 = tpu.vector_load_idx %arg6[%parallel_loop3A_223] : memref<1024xf32, #tpu.memory_space<vmem>>[vector<16xi32>], vector<16xf32>,
          %parallel_loop3A_225 = arith.constant 768 : i32
          %parallel_loop3A_226 = arith.addi %parallel_loop3A_186, %parallel_loop3A_225 : i32
          %parallel_loop3A_227 = arith.index_cast %parallel_loop3A_226 : i32 to index
          %parallel_loop3A_228 = tpu.vector_load %arg7[%parallel_loop3A_227] {strides = array<i32>} : memref<32768xf32, #tpu.memory_space<vmem>>, vector<16xf32>,
          tpu.vector_store %arg7[%parallel_loop3A_227], %parallel_loop3A_224 {strides = array<i32>} : memref<32768xf32, #tpu.memory_space<vmem>>, vector<16xf32>,
          %parallel_loop3A_229 = arith.addi %parallel_loop3A_141, %add3A_90 : vector<16xi32>
          %parallel_loop3A_230 = tpu.vector_load_idx %arg6[%parallel_loop3A_229] : memref<1024xf32, #tpu.memory_space<vmem>>[vector<16xi32>], vector<16xf32>,
          %parallel_loop3A_231 = arith.constant 896 : i32
          %parallel_loop3A_232 = arith.addi %parallel_loop3A_186, %parallel_loop3A_231 : i32
          %parallel_loop3A_233 = arith.index_cast %parallel_loop3A_232 : i32 to index
          %parallel_loop3A_234 = tpu.vector_load %arg7[%parallel_loop3A_233] {strides = array<i32>} : memref<32768xf32, #tpu.memory_space<vmem>>, vector<16xf32>,
          tpu.vector_store %arg7[%parallel_loop3A_233], %parallel_loop3A_230 {strides = array<i32>} : memref<32768xf32, #tpu.memory_space<vmem>>, vector<16xf32>,
        } {sc.loop_unroll_factor = 8 : i64, sc.parallel_access}
        %mul3A_110 = arith.constant 32768 : i32
        %mul3A_111 = arith.muli %add3A_101, %mul3A_110 : i32
        %add3A_112 = arith.addi %add3A_55, %mul3A_111 : i32
        %dma_start3A = tpu.memref_slice %arg4[%add3A_112] : memref<104857600xf32, #tpu.memory_space<hbm>> -> memref<32768xf32, #tpu.memory_space<hbm>>
        %dma_start3A_113 = tpu.memref_slice %arg4[%add3A_112] : memref<104857600xf32, #tpu.memory_space<hbm>> -> memref<32768xf32, #tpu.memory_space<hbm>>
        tpu.enqueue_dma source(%arg7 : memref<32768xf32, #tpu.memory_space<vmem>>) target(%dma_start3A_113 : memref<32768xf32, #tpu.memory_space<hbm>>) target_semaphore(%arg9 : memref<!tpu.dma_semaphore, #tpu.memory_space<semaphore_mem>>)
        %mul3A_114 = arith.constant 2 : i32
        %mul3A_115 = arith.muli %scan3A_97, %mul3A_114 : i32
        %add3A_116 = arith.constant 1 : i32
        %add3A_117 = arith.addi %mul3A_115, %add3A_116 : i32
        %gt3A_118 = arith.constant 0 : i32
        %gt3A_119 = arith.cmpi sgt, %scan3A_16, %gt3A_118 : i32
        %gt3A_120 = arith.constant 0 : i32
        %gt3A_121 = arith.cmpi sgt, %scan3A_97, %gt3A_120 : i32
        %or3A_122 = arith.ori %gt3A_119, %gt3A_121 : i1
        %convert_element_type3A_123 = arith.extui %or3A_122 : i1 to i32
        %cond3A_124 = arith.constant 0 : i32
        %cond3A_125 = arith.cmpi ne, %convert_element_type3A_123, %cond3A_124 : i32
        scf.if %cond3A_125 {
          %dma_wait3A_134 = arith.constant 0 : i32
          %dma_wait3A_135 = tpu.memref_slice %arg4[%dma_wait3A_134] : memref<104857600xf32, #tpu.memory_space<hbm>> -> memref<32768xf32, #tpu.memory_space<hbm>>
          %dma_wait3A_136 = arith.constant 0 : i32
          %dma_wait3A_137 = tpu.memref_slice %arg4[%dma_wait3A_136] : memref<104857600xf32, #tpu.memory_space<hbm>> -> memref<32768xf32, #tpu.memory_space<hbm>>
          tpu.wait_dma2 semaphore(%arg10 : memref<!tpu.dma_semaphore, #tpu.memory_space<semaphore_mem>>) src(%arg8 : memref<32768xf32, #tpu.memory_space<vmem>>) dst(%dma_wait3A_137 : memref<32768xf32, #tpu.memory_space<hbm>>)
        } else {
        }
        %parallel_loop3A_126 = arith.constant 0 : i32
        %parallel_loop3A_127 = arith.constant 256 : i32
        %parallel_loop3A_128 = arith.constant 1 : i32
        scf.for %parallel_loop3A_134 = %parallel_loop3A_126 to %parallel_loop3A_127 step %parallel_loop3A_128  : i32 {
          %parallel_loop3A_135 = arith.constant 256 : i32
          %parallel_loop3A_136 = arith.muli %add3A_117, %parallel_loop3A_135 : i32
          %parallel_loop3A_137 = arith.addi %parallel_loop3A_136, %parallel_loop3A_134 : i32
          %parallel_loop3A_138 = arith.constant 16 : i32
          %parallel_loop3A_139 = arith.muli %parallel_loop3A_137, %parallel_loop3A_138 : i32
          %parallel_loop3A_140 = arith.index_cast %parallel_loop3A_139 : i32 to index
          %parallel_loop3A_141 = tpu.vector_load %arg5[%parallel_loop3A_140] {strides = array<i32>} : memref<16384xi32, #tpu.memory_space<vmem>>, vector<16xi32>,
          %parallel_loop3A_142 = arith.constant 8 : i32
          %parallel_loop3A_143 = arith.divsi %parallel_loop3A_134, %parallel_loop3A_142 : i32
          %parallel_loop3A_144 = arith.constant 0 : i32
          %parallel_loop3A_145 = arith.cmpi sgt, %parallel_loop3A_134, %parallel_loop3A_144 : i32
          %parallel_loop3A_146 = arith.extui %parallel_loop3A_145 : i1 to i32
          %parallel_loop3A_147 = arith.constant 0 : i32
          %parallel_loop3A_148 = arith.cmpi slt, %parallel_loop3A_134, %parallel_loop3A_147 : i32
          %parallel_loop3A_149 = arith.extui %parallel_loop3A_148 : i1 to i32
          %parallel_loop3A_150 = arith.subi %parallel_loop3A_146, %parallel_loop3A_149 : i32
          %parallel_loop3A_151 = arith.constant 0 : i32
          %parallel_loop3A_152 = arith.cmpi sgt, %parallel_loop3A_142, %parallel_loop3A_151 : i32
          %parallel_loop3A_153 = arith.extui %parallel_loop3A_152 : i1 to i32
          %parallel_loop3A_154 = arith.constant 0 : i32
          %parallel_loop3A_155 = arith.cmpi slt, %parallel_loop3A_142, %parallel_loop3A_154 : i32
          %parallel_loop3A_156 = arith.extui %parallel_loop3A_155 : i1 to i32
          %parallel_loop3A_157 = arith.subi %parallel_loop3A_153, %parallel_loop3A_156 : i32
          %parallel_loop3A_158 = arith.cmpi ne, %parallel_loop3A_150, %parallel_loop3A_157 : i32
          %parallel_loop3A_159 = arith.remsi %parallel_loop3A_134, %parallel_loop3A_142 : i32
          %parallel_loop3A_160 = arith.constant 0 : i32
          %parallel_loop3A_161 = arith.cmpi ne, %parallel_loop3A_159, %parallel_loop3A_160 : i32
          %parallel_loop3A_162 = arith.andi %parallel_loop3A_158, %parallel_loop3A_161 : i1
          %parallel_loop3A_163 = arith.constant 1 : i32
          %parallel_loop3A_164 = arith.subi %parallel_loop3A_143, %parallel_loop3A_163 : i32
          %parallel_loop3A_165 = arith.select %parallel_loop3A_162, %parallel_loop3A_164, %parallel_loop3A_143 : i32
          %parallel_loop3A_166 = arith.constant 1024 : i32
          %parallel_loop3A_167 = arith.muli %parallel_loop3A_165, %parallel_loop3A_166 : i32
          %parallel_loop3A_168 = arith.constant 8 : i32
          %parallel_loop3A_169 = arith.constant 0 : i32
          %parallel_loop3A_170 = arith.cmpi eq, %parallel_loop3A_168, %parallel_loop3A_169 : i32
          %parallel_loop3A_171 = arith.constant 1 : i32
          %parallel_loop3A_172 = arith.select %parallel_loop3A_170, %parallel_loop3A_171, %parallel_loop3A_168 : i32
          %parallel_loop3A_173 = arith.remsi %parallel_loop3A_134, %parallel_loop3A_172 : i32
          %parallel_loop3A_174 = arith.constant 0 : i32
          %parallel_loop3A_175 = arith.cmpi ne, %parallel_loop3A_173, %parallel_loop3A_174 : i32
          %parallel_loop3A_176 = arith.constant 0 : i32
          %parallel_loop3A_177 = arith.cmpi slt, %parallel_loop3A_173, %parallel_loop3A_176 : i32
          %parallel_loop3A_178 = arith.constant 0 : i32
          %parallel_loop3A_179 = arith.cmpi slt, %parallel_loop3A_172, %parallel_loop3A_178 : i32
          %parallel_loop3A_180 = arith.xori %parallel_loop3A_177, %parallel_loop3A_179 : i1
          %parallel_loop3A_181 = arith.andi %parallel_loop3A_180, %parallel_loop3A_175 : i1
          %parallel_loop3A_182 = arith.addi %parallel_loop3A_173, %parallel_loop3A_172 : i32
          %parallel_loop3A_183 = arith.select %parallel_loop3A_181, %parallel_loop3A_182, %parallel_loop3A_173 : i32
          %parallel_loop3A_184 = arith.constant 16 : i32
          %parallel_loop3A_185 = arith.muli %parallel_loop3A_183, %parallel_loop3A_184 : i32
          %parallel_loop3A_186 = arith.addi %parallel_loop3A_167, %parallel_loop3A_185 : i32
          %parallel_loop3A_187 = arith.addi %parallel_loop3A_141, %add3A_62 : vector<16xi32>
          %parallel_loop3A_188 = tpu.vector_load_idx %arg6[%parallel_loop3A_187] : memref<1024xf32, #tpu.memory_space<vmem>>[vector<16xi32>], vector<16xf32>,
          %parallel_loop3A_189 = arith.constant 0 : i32
          %parallel_loop3A_190 = arith.addi %parallel_loop3A_186, %parallel_loop3A_189 : i32
          %parallel_loop3A_191 = arith.index_cast %parallel_loop3A_190 : i32 to index
          %parallel_loop3A_192 = tpu.vector_load %arg8[%parallel_loop3A_191] {strides = array<i32>} : memref<32768xf32, #tpu.memory_space<vmem>>, vector<16xf32>,
          tpu.vector_store %arg8[%parallel_loop3A_191], %parallel_loop3A_188 {strides = array<i32>} : memref<32768xf32, #tpu.memory_space<vmem>>, vector<16xf32>,
          %parallel_loop3A_193 = arith.addi %parallel_loop3A_141, %add3A_66 : vector<16xi32>
          %parallel_loop3A_194 = tpu.vector_load_idx %arg6[%parallel_loop3A_193] : memref<1024xf32, #tpu.memory_space<vmem>>[vector<16xi32>], vector<16xf32>,
          %parallel_loop3A_195 = arith.constant 128 : i32
          %parallel_loop3A_196 = arith.addi %parallel_loop3A_186, %parallel_loop3A_195 : i32
          %parallel_loop3A_197 = arith.index_cast %parallel_loop3A_196 : i32 to index
          %parallel_loop3A_198 = tpu.vector_load %arg8[%parallel_loop3A_197] {strides = array<i32>} : memref<32768xf32, #tpu.memory_space<vmem>>, vector<16xf32>,
          tpu.vector_store %arg8[%parallel_loop3A_197], %parallel_loop3A_194 {strides = array<i32>} : memref<32768xf32, #tpu.memory_space<vmem>>, vector<16xf32>,
          %parallel_loop3A_199 = arith.addi %parallel_loop3A_141, %add3A_70 : vector<16xi32>
          %parallel_loop3A_200 = tpu.vector_load_idx %arg6[%parallel_loop3A_199] : memref<1024xf32, #tpu.memory_space<vmem>>[vector<16xi32>], vector<16xf32>,
          %parallel_loop3A_201 = arith.constant 256 : i32
          %parallel_loop3A_202 = arith.addi %parallel_loop3A_186, %parallel_loop3A_201 : i32
          %parallel_loop3A_203 = arith.index_cast %parallel_loop3A_202 : i32 to index
          %parallel_loop3A_204 = tpu.vector_load %arg8[%parallel_loop3A_203] {strides = array<i32>} : memref<32768xf32, #tpu.memory_space<vmem>>, vector<16xf32>,
          tpu.vector_store %arg8[%parallel_loop3A_203], %parallel_loop3A_200 {strides = array<i32>} : memref<32768xf32, #tpu.memory_space<vmem>>, vector<16xf32>,
          %parallel_loop3A_205 = arith.addi %parallel_loop3A_141, %add3A_74 : vector<16xi32>
          %parallel_loop3A_206 = tpu.vector_load_idx %arg6[%parallel_loop3A_205] : memref<1024xf32, #tpu.memory_space<vmem>>[vector<16xi32>], vector<16xf32>,
          %parallel_loop3A_207 = arith.constant 384 : i32
          %parallel_loop3A_208 = arith.addi %parallel_loop3A_186, %parallel_loop3A_207 : i32
          %parallel_loop3A_209 = arith.index_cast %parallel_loop3A_208 : i32 to index
          %parallel_loop3A_210 = tpu.vector_load %arg8[%parallel_loop3A_209] {strides = array<i32>} : memref<32768xf32, #tpu.memory_space<vmem>>, vector<16xf32>,
          tpu.vector_store %arg8[%parallel_loop3A_209], %parallel_loop3A_206 {strides = array<i32>} : memref<32768xf32, #tpu.memory_space<vmem>>, vector<16xf32>,
          %parallel_loop3A_211 = arith.addi %parallel_loop3A_141, %add3A_78 : vector<16xi32>
          %parallel_loop3A_212 = tpu.vector_load_idx %arg6[%parallel_loop3A_211] : memref<1024xf32, #tpu.memory_space<vmem>>[vector<16xi32>], vector<16xf32>,
          %parallel_loop3A_213 = arith.constant 512 : i32
          %parallel_loop3A_214 = arith.addi %parallel_loop3A_186, %parallel_loop3A_213 : i32
          %parallel_loop3A_215 = arith.index_cast %parallel_loop3A_214 : i32 to index
          %parallel_loop3A_216 = tpu.vector_load %arg8[%parallel_loop3A_215] {strides = array<i32>} : memref<32768xf32, #tpu.memory_space<vmem>>, vector<16xf32>,
          tpu.vector_store %arg8[%parallel_loop3A_215], %parallel_loop3A_212 {strides = array<i32>} : memref<32768xf32, #tpu.memory_space<vmem>>, vector<16xf32>,
          %parallel_loop3A_217 = arith.addi %parallel_loop3A_141, %add3A_82 : vector<16xi32>
          %parallel_loop3A_218 = tpu.vector_load_idx %arg6[%parallel_loop3A_217] : memref<1024xf32, #tpu.memory_space<vmem>>[vector<16xi32>], vector<16xf32>,
          %parallel_loop3A_219 = arith.constant 640 : i32
          %parallel_loop3A_220 = arith.addi %parallel_loop3A_186, %parallel_loop3A_219 : i32
          %parallel_loop3A_221 = arith.index_cast %parallel_loop3A_220 : i32 to index
          %parallel_loop3A_222 = tpu.vector_load %arg8[%parallel_loop3A_221] {strides = array<i32>} : memref<32768xf32, #tpu.memory_space<vmem>>, vector<16xf32>,
          tpu.vector_store %arg8[%parallel_loop3A_221], %parallel_loop3A_218 {strides = array<i32>} : memref<32768xf32, #tpu.memory_space<vmem>>, vector<16xf32>,
          %parallel_loop3A_223 = arith.addi %parallel_loop3A_141, %add3A_86 : vector<16xi32>
          %parallel_loop3A_224 = tpu.vector_load_idx %arg6[%parallel_loop3A_223] : memref<1024xf32, #tpu.memory_space<vmem>>[vector<16xi32>], vector<16xf32>,
          %parallel_loop3A_225 = arith.constant 768 : i32
          %parallel_loop3A_226 = arith.addi %parallel_loop3A_186, %parallel_loop3A_225 : i32
          %parallel_loop3A_227 = arith.index_cast %parallel_loop3A_226 : i32 to index
          %parallel_loop3A_228 = tpu.vector_load %arg8[%parallel_loop3A_227] {strides = array<i32>} : memref<32768xf32, #tpu.memory_space<vmem>>, vector<16xf32>,
          tpu.vector_store %arg8[%parallel_loop3A_227], %parallel_loop3A_224 {strides = array<i32>} : memref<32768xf32, #tpu.memory_space<vmem>>, vector<16xf32>,
          %parallel_loop3A_229 = arith.addi %parallel_loop3A_141, %add3A_90 : vector<16xi32>
          %parallel_loop3A_230 = tpu.vector_load_idx %arg6[%parallel_loop3A_229] : memref<1024xf32, #tpu.memory_space<vmem>>[vector<16xi32>], vector<16xf32>,
          %parallel_loop3A_231 = arith.constant 896 : i32
          %parallel_loop3A_232 = arith.addi %parallel_loop3A_186, %parallel_loop3A_231 : i32
          %parallel_loop3A_233 = arith.index_cast %parallel_loop3A_232 : i32 to index
          %parallel_loop3A_234 = tpu.vector_load %arg8[%parallel_loop3A_233] {strides = array<i32>} : memref<32768xf32, #tpu.memory_space<vmem>>, vector<16xf32>,
          tpu.vector_store %arg8[%parallel_loop3A_233], %parallel_loop3A_230 {strides = array<i32>} : memref<32768xf32, #tpu.memory_space<vmem>>, vector<16xf32>,
        } {sc.loop_unroll_factor = 8 : i64, sc.parallel_access}
        %mul3A_129 = arith.constant 32768 : i32
        %mul3A_130 = arith.muli %add3A_117, %mul3A_129 : i32
        %add3A_131 = arith.addi %add3A_55, %mul3A_130 : i32
        %dma_start3A_132 = tpu.memref_slice %arg4[%add3A_131] : memref<104857600xf32, #tpu.memory_space<hbm>> -> memref<32768xf32, #tpu.memory_space<hbm>>
        %dma_start3A_133 = tpu.memref_slice %arg4[%add3A_131] : memref<104857600xf32, #tpu.memory_space<hbm>> -> memref<32768xf32, #tpu.memory_space<hbm>>
        tpu.enqueue_dma source(%arg8 : memref<32768xf32, #tpu.memory_space<vmem>>) target(%dma_start3A_133 : memref<32768xf32, #tpu.memory_space<hbm>>) target_semaphore(%arg10 : memref<!tpu.dma_semaphore, #tpu.memory_space<semaphore_mem>>)
      }
      %scan3A_96 = arith.constant 2 : i32
      scf.yield %select_n3A : i32
    }
    %scan3A_8 = arith.constant 25 : i32
    %dma_wait3A = arith.constant 0 : i32
    %dma_wait3A_9 = tpu.memref_slice %arg4[%dma_wait3A] : memref<104857600xf32, #tpu.memory_space<hbm>> -> memref<32768xf32, #tpu.memory_space<hbm>>
    %dma_wait3A_10 = arith.constant 0 : i32
    %dma_wait3A_11 = tpu.memref_slice %arg4[%dma_wait3A_10] : memref<104857600xf32, #tpu.memory_space<hbm>> -> memref<32768xf32, #tpu.memory_space<hbm>>
    tpu.wait_dma2 semaphore(%arg9 : memref<!tpu.dma_semaphore, #tpu.memory_space<semaphore_mem>>) src(%arg7 : memref<32768xf32, #tpu.memory_space<vmem>>) dst(%dma_wait3A_11 : memref<32768xf32, #tpu.memory_space<hbm>>)
    %dma_wait3A_12 = arith.constant 0 : i32
    %dma_wait3A_13 = tpu.memref_slice %arg4[%dma_wait3A_12] : memref<104857600xf32, #tpu.memory_space<hbm>> -> memref<32768xf32, #tpu.memory_space<hbm>>
    %dma_wait3A_14 = arith.constant 0 : i32
    %dma_wait3A_15 = tpu.memref_slice %arg4[%dma_wait3A_14] : memref<104857600xf32, #tpu.memory_space<hbm>> -> memref<32768xf32, #tpu.memory_space<hbm>>
    tpu.wait_dma2 semaphore(%arg10 : memref<!tpu.dma_semaphore, #tpu.memory_space<semaphore_mem>>) src(%arg8 : memref<32768xf32, #tpu.memory_space<vmem>>) dst(%dma_wait3A_15 : memref<32768xf32, #tpu.memory_space<hbm>>)
    return
  }
}

</mosaic_0001>

<sc_bundles>
// kernel: kernel.3.cloned.1.call-start
scs
__scs_entry_jumppad:
0x0: {  	(pc) =	sbr.rel $0x88, $3  }
0x1: {  	(tag) =	ssettag $0x0;
	lr =	simm.s32 $0x1  }
0x2: {  	[smem:$0x3F9F] =	sst lr;
	_ =	strace $0xD0000000  }
0x3: {  	_ = 	snop  }
0x4: {  	_ = 	snop  }
0x5: {  	_ = 	snop  }
0x6: {  	_ = 	snop  }
0x7: {  	_ = 	snop  }
__scs_overlays_trampoline_lowered:
0x8: {  	[smem:$0x3FAE] =	sst s0  }
0x9: {  	[smem:$0x3FAF] =	sst s1  }
0xa: {  	[smem:$0x3FB0] =	sst s2  }
0xb: {  	[smem:$0x3FB1] =	sst s3  }
0xc: {  	[smem:$0x3FB2] =	sst s4  }
0xd: {  	[smem:$0x3FB3] =	sst s5  }
0xe: {  	[smem:$0x3FB4] =	sst s6  }
0xf: {  	[smem:$0x3FB5] =	sst s7  }
0x10: {  	[smem:$0x3FB6] =	sst s8  }
0x11: {  	[smem:$0x3FB7] =	sst s9;
	s0 =	simm.s32 @!p0 $0x0  }
0x12: {  	s1 =	sld [smem:$0x3F9D];
	s0 =	simm.s32 @p0 $0x1  }
0x13: {  	[smem:$0x3FB8] =	sst s0;
	s0 =	simm.s32 @!p1 $0x0  }
0x14: {  	s2 =	sld [smem:$0x3F9C];
	s0 =	simm.s32 @p1 $0x1  }
0x15: {  	[smem:$0x3FB9] =	sst s0;
	s0 =	simm.s32 @!p2 $0x0  }
0x16: {  	s3 =	sld [smem:$0x3FDB];
	s0 =	simm.s32 @p2 $0x1  }
0x17: {  	s4 =	simm.s32 $0x1BF5;
	[smem:$0x3FBB] =	sst s0  }
0x18: {  	s0 =	sld [smem:$0x3F9E];
	_ =	swait.ge [sflag:s4], $0x0  }
0x19: {  	s7 =	sld [smem:$0x3F9F]  }
0x1a: {  	s8 =	sadd.s32 $0xFFFFE003, lr  }
0x1b: {  	s9 =	sadd.s32 $0xFFFFFEF7, lr;
	s5 =	simm.s32 $0xFFFFFFFF;
	p2 =	slt.u32 s8, $0xFFFFF086  }
0x1c: {  	p1 =	slt.u32 s9, $0xF7A;
	s5 =	simm.s32 @!p2 $0x0  }
0x1d: {  	s5 =	simm.s32 @p1 $0x1;
	p0 =	seq.s32 s7, s2  }
0x1e: {  	s7 =	smul.u32 @!p0 $0xF7A, s2;
	p2 =	seq.s32 @!p0 s5, $0x0  }
0x1f: {  	s9 =	smul.u32 $0xF7A, s1;
	s8 =	simm.s32 @!p0 $0x1BF5;
	p2 =	por !p2, p0  }
0x20: {  	[sflag:s8] =	ssyncset.s32 @!p0 $0xFFFFF086;
	s6 =	sadd.s32 @!p0 s3, s7;
	s7 =	simm.s32 @!p0 $0x108  }
0x21: {  	s3 =	sadd.s32 s3, s9;
	s6 =	sadd.s32 @!p0 $0x88, s6;
	s7 =	simm.s32 @p2 $0x1082  }
0x22: {  	[simem:s7], [sflag:s8] =	dma.local @!p0 [hbm:s6], $0xF7A  }
0x23: {  	s9 =	sor.u32 $0xD0000000, s2;
	s6 =	simm.s32 $0x108;
	_ =	swait.ge @!p0 [sflag:s8], $0x0  }
0x24: {  	s3 =	sadd.s32 $0x88, s3;
	s6 =	simm.s32 @!p1 $0x1082;
	[sflag:s4] =	ssyncset.s32 $0xFFFFF086  }
0x25: {  	[simem:s6], [sflag:s4] =	dma.local [hbm:s3], $0xF7A  }
0x26: {  	[smem:$0x3F9F] =	sst s1;
	(tag) =	ssettag s2;
	_ =	strace s9  }
0x27: {  	s1 =	sld [smem:$0x3FAF]  }
0x28: {  	s2 =	sld [smem:$0x3FB0]  }
0x29: {  	s4 =	sld [smem:$0x3FB2]  }
0x2a: {  	p0 =	seq.s32 s5, $0x0;
	s5 =	sld [smem:$0x3FB3]  }
0x2b: {  	s6 =	sld [smem:$0x3FB4]  }
0x2c: {  	s7 =	sld [smem:$0x3FB5]  }
0x2d: {  	s3 =	simm.s32 $0x108;
	s8 =	sld [smem:$0x3FB6]  }
0x2e: {  	s3 =	simm.s32 @!p0 $0x1082;
	s9 =	sld [smem:$0x3FB7]  }
0x2f: {  	lr =	sadd.s32 s0, s3;
	s0 =	sld [smem:$0x3FAE]  }
0x30: {  	s3 =	sld [smem:$0x3FB1]  }
0x31: {  	[smem:$0x3FBA] =	sst s10  }
0x32: {  	s10 =	sld [smem:$0x3FB8];
	_ =	sdelay $0x3  }
0x33: {  	p0 =	seq.s32 s10, $0x1;
	s10 =	sld [smem:$0x3FBA];
	_ =	sdelay $0x3  }
0x34: {  	[smem:$0x3FBA] =	sst s10  }
0x35: {  	s10 =	sld [smem:$0x3FB9];
	_ =	sdelay $0x3  }
0x36: {  	p1 =	seq.s32 s10, $0x1;
	s10 =	sld [smem:$0x3FBA];
	_ =	sdelay $0x3  }
0x37: {  	[smem:$0x3FBA] =	sst s10  }
0x38: {  	s10 =	sld [smem:$0x3FBB]  }
0x39: {  	_ = 	snop;
	(pc) =	sbr.ind lr, $3  }
0x3a: {  	_ = 	snop  }
0x3b: {  	_ = 	snop  }
0x3c: {  	p2 =	seq.s32 s10, $0x1;
	s10 =	sld [smem:$0x3FBA]  }
0x3d: {  	_ =	shalt  }
0x3e: {  	_ =	shalt  }
0x3f: {  	_ =	shalt  }
0x40: {  	_ =	shalt  }
0x41: {  	_ =	shalt  }
0x42: {  	_ =	shalt  }
0x43: {  	_ =	shalt  }
0x44: {  	_ =	shalt  }
0x45: {  	_ =	shalt  }
0x46: {  	_ =	shalt  }
0x47: {  	_ =	shalt  }
0x48: {  	_ =	shalt  }
0x49: {  	_ =	shalt  }
0x4a: {  	_ =	shalt  }
0x4b: {  	_ =	shalt  }
0x4c: {  	_ =	shalt  }
0x4d: {  	_ =	shalt  }
0x4e: {  	_ =	shalt  }
0x4f: {  	_ =	shalt  }
0x50: {  	_ =	shalt  }
0x51: {  	_ =	shalt  }
0x52: {  	_ =	shalt  }
0x53: {  	_ =	shalt  }
0x54: {  	_ =	shalt  }
0x55: {  	_ =	shalt  }
0x56: {  	_ =	shalt  }
0x57: {  	_ =	shalt  }
0x58: {  	_ =	shalt  }
0x59: {  	_ =	shalt  }
0x5a: {  	_ =	shalt  }
0x5b: {  	_ =	shalt  }
0x5c: {  	_ =	shalt  }
0x5d: {  	_ =	shalt  }
0x5e: {  	_ =	shalt  }
0x5f: {  	_ =	shalt  }
0x60: {  	_ =	shalt  }
0x61: {  	_ =	shalt  }
0x62: {  	_ =	shalt  }
0x63: {  	_ =	shalt  }
0x64: {  	_ =	shalt  }
0x65: {  	_ =	shalt  }
0x66: {  	_ =	shalt  }
0x67: {  	_ =	shalt  }
0x68: {  	_ =	shalt  }
0x69: {  	_ =	shalt  }
0x6a: {  	_ =	shalt  }
0x6b: {  	_ =	shalt  }
0x6c: {  	_ =	shalt  }
0x6d: {  	_ =	shalt  }
0x6e: {  	_ =	shalt  }
0x6f: {  	_ =	shalt  }
0x70: {  	_ =	shalt  }
0x71: {  	_ =	shalt  }
0x72: {  	_ =	shalt  }
0x73: {  	_ =	shalt  }
0x74: {  	_ =	shalt  }
0x75: {  	_ =	shalt  }
0x76: {  	_ =	shalt  }
0x77: {  	_ =	shalt  }
0x78: {  	_ =	shalt  }
0x79: {  	_ =	shalt  }
0x7a: {  	_ =	shalt  }
0x7b: {  	_ =	shalt  }
0x7c: {  	_ =	shalt  }
0x7d: {  	_ =	shalt  }
0x7e: {  	_ =	shalt  }
0x7f: {  	_ =	shalt  }
0x80: {  	_ =	shalt  }
0x81: {  	_ =	shalt  }
0x82: {  	_ =	shalt  }
0x83: {  	_ =	shalt  }
0x84: {  	_ =	shalt  }
0x85: {  	_ =	shalt  }
0x86: {  	_ =	shalt  }
0x87: {  	_ =	shalt  }
.Lfunc_end0:
.L_simem_size_0:
called_computation_lowered:
.L_overlay_start_0:
0x88: {  	s2 =	sld [smem:$0x3FD9]  }
0x89: {  	s3 =	sld [smem:$0x3FFE];
	_ =	sdelay $0x1  }
0x8a: {  	s1 =	srdreg.scid  }
0x8b: {  	s0 =	sand.u32 $0x1, s1  }
0x8c: {  	s17 =	sshll.u32 s0, $0xA;
	s2 =	sadd.s32 s3, s2  }
0x8d: {  	s2 =	sadd.s32 s2, s17  }
0x8e: {  	[smem:$0x3FC6] =	sst s2  }
0x8f: {  	_ = 	snop  }
0x90: {  	s2 =	sld [smem:$0x3FD0];
	(tm) =	ssettm $0x1  }
0x91: {  	s18 =	sld [smem:$0x3FFB];
	_ =	sdelay $0x3  }
0x92: {  	_ =	strace s18  }
0x93: {  	s3 =	sld [smem:$0x3FFC];
	_ =	sdelay $0x3  }
0x94: {  	_ =	strace s3  }
0x95: {  	s3 =	sld [smem:$0x3FFD];
	_ =	sdelay $0x3  }
0x96: {  	_ =	strace s3  }
0x97: {  	_ =	strace $0x8FFFFFFF  }
0x98: {  	s19 =	sld [smem:$0x3FDB];
	_ =	sdelay $0x1  }
0x99: {  	s4 =	simm.s32 $_scs_section_size  }
0x9a: {  	s5 =	simm.s32 $_size__tile_overlayer_lowered;
	s6 =	simm.s32 $_tile_overlayer_lowered  }
0x9b: {  	s22 =	simm.s32 $0x1BFF;
	s21 =	sshll.u32 s6, $0x1;
	s3 =	sadd.s32 s4, s19  }
0x9c: {  	s7 =	simm.s32 $0x0;
	s20 =	sshll.u32 s5, $0x1;
	s5 =	sadd.s32 s21, s3  }
0x9d: {  	[timem:s7], [sflag:s22] =	dma.local [hbm:s5], s20  }
0x9e: {  	_ =	swait.ge [sflag:s22], s20  }
0x9f: {  	s4 =	ssub.s32 $0x0, s20;
	[sflag:s22] =	ssyncset.done $0x0  }
0xa0: {  	[sflag:s22] =	ssyncadd.s32 s4;
	_ =	sdelay $0x1  }
0xa1: {  	s23 =	simm.s32 $0x1B8B  }
0xa2: {  	_ =	swait.ge [sflag:s23], $0x1  }
0xa3: {  	[sflag:s23] =	ssyncset.done $0x0  }
0xa4: {  	s25 =	simm.s32 $0x1B8E;
	s24 =	sld [smem:$0x3FFE];
	[sflag:s23] =	ssyncadd.s32 $0xFFFFFFFF  }
0xa5: {  	s26 =	simm.s32 $execute0_lowered;
	[smem:$0x3FD2] =	sst s25  }
0xa6: {  	s5 =	sshll.u32 s26, $0x1;
	_ =	strace $0x80000046;
	[dreg:$0x1] =	wrdreg $0xFFFFFFFF  }
0xa7: {  	s28 =	simm.s32 $_size_execute0_lowered;
	s3 =	sadd.s32 s3, s5;
	[dreg:$0x0] =	wrdreg $0x0  }
0xa8: {  	s5 =	sshll.u32 s28, $0x1;
	[dreg:$0x2] =	wrdreg s3  }
0xa9: {  	[dreg:$0x3] =	wrdreg s5  }
0xaa: {  	[dreg:$0x4] =	wrdreg $0xC0  }
0xab: {  	_ =	task [dreg:s7], $0x5FFFF  }
0xac: {  	[dreg:$0x1] =	wrdreg $0xFFFFFFFF  }
0xad: {  	[dreg:$0x0] =	wrdreg $0x60  }
0xae: {  	[dreg:$0x2] =	wrdreg s24  }
0xaf: {  	[dreg:$0x3] =	wrdreg s2  }
0xb0: {  	[dreg:$0x4] =	wrdreg $0x9  }
0xb1: {  	_ =	task.clear_ibuf [dreg:s7], $0x5FFFF;
	_ =	strace $0x90000046  }
0xb2: {  	s29 =	simm.s32 $0x9;
	_ =	strace $0x80000048  }
0xb3: {  	_ =	swait.ge [sflag:s29], $0x1  }
0xb4: {  	[sflag:s29] =	ssyncadd.s32 $0xFFFFFFFF  }
0xb5: {  	_ =	strace $0x90000048  }
0xb6: {  	_ =	sfence  }
0xb7: {  	s30 =	sld [smem:$0x0];
	_ =	sdelay $0x2  }
0xb8: {  	s31 =	sshll.u32 s1, $0xD;
	s1 =	sshrl.u32 s1, $0x2  }
0xb9: {  	s3 =	sand.u32 $0x4000, s31;
	s1 =	sadd.s32 s1, s30  }
0xba: {  	s0 =	sor.u32 s3, s0;
	s1 =	sshll.u32 s1, $0x11  }
0xbb: {  	s0 =	sor.u32 s1, s0  }
0xbc: {  	s0 =	sadd.s32 $0x8F2B, s0  }
0xbd: {  	[sflag:s0] =	ssyncadd.remote.s32 $0x1  }
0xbe: {  	_ =	sfence.sel $0xFFFF  }
0xbf: {  	[dreg:$0x0] =	wrdreg $0xFFFFFFFF;
	(pc) =	sbr.abs _section_cstart, $3  }
0xc0: {  	[dreg:$0x1] =	wrdreg $0xFFFFFFFF  }
0xc1: {  	_ =	task.clear_ibuf [dreg:s7], $0x2FFFF;
	_ =	strace $0x9FFFFFFF  }
0xc2: {  	(tm) =	ssettm $0x7FFFFFFF  }
0xc3: {  	_ =	shalt  }
tec
execute0_lowered:
.L_overlay_start_1:
0x0: {  	(tag) =	ssettag $0x1  }
0x1: {  	s5 =	rddreg [dreg:$0x0]  }
0x2: {  	s1 =	rddreg [dreg:$0x1]  }
0x3: {  	s0 =	rddreg [dreg:$0x2];
	s2 =	simm.s32 $0x0  }
0x4: {  	s3 =	srdreg.scid;
	s10 =	simm.s32 $0x4400;
	s11 =	simm.s32 $0xC400  }
0x5: {  	s12 =	simm.s32 $0x1;
	s13 =	simm.s32 $0x2;
	s14 =	simm.s32 $0x0  }
0x6: {  	[smem:$0x7FF] =	sst s2;
	s6 =	sand.u32 $0x1, s3;
	s3 =	stileid.u32  }
0x7: {  	s4 =	sadd.s32 $0x600, s5;
	s5 =	sadd.s32 $0x400, s5;
	s7 =	ssub.s32 $0x2, s6  }
0x8: {  	_ =	strace $0x80000047;
	s9 =	sshll.u32 s3, $0x1;
	s8 =	sshrl.u32 s7, $0x1  }
0x9: {  	s6 =	sor.u32 s6, s9;
	s9 =	simm.s32 $0x3;
	s7 =	ssub.s32 s7, s8  }
0xa: {  	s6 =	smul.u32 $0x19, s6;
	s8 =	simm.s32 $0x4000;
	s7 =	smax.u32 s7, $0x1  }
.LBB2_1:
0xb: {  	[tilespmem:s8], [sflag:$0x3] =	stream.linear.gather [hbm4b:s5+s2], $0x400, $0x38;
	[tilespmem:$0x14400] =	vst v63  }
0xc: {  	_ =	swait.ge [sflag:s9], $0x400  }
0xd: {  	[sflag:s9] =	ssyncset.done $0x0  }
0xe: {  	s16 =	simm.s32 $0xFFFFFFFF;
	s15 =	simm.s32 $0x0;
	[sflag:s9] =	ssyncadd.s32 $0xFFFFFC00  }
.LBB2_2:
0xf: {  	s18 =	sadd.s32 s6, s15  }
0x10: {  	s17 =	smov.u32 s16;
	s16 =	sshrl.u32 s18, $0x3  }
0x11: {  	p1 =	sne.s32 s15, $0x0;
	p2 =	por $0x1, $0x1;
	p0 =	seq.s32 s16, s17  }
0x12: {  	s18 =	sand.u32 $0x7, s18;
	s25 =	sshll.u32 s16, $0x14;
	s17 =	sshll.u32 @!p0 s16, $0xB  }
0x13: {  	s26 =	sshll.u32 s18, $0x7;
	s18 =	sshll.u32 s18, $0x11;
	s17 =	sand.u32 @!p0 $0x1FFFF800, s17  }
0x14: {  	s19 =	simm.s32 @!p0 $0x0;
	s20 =	sor.u32 $0x10, s26;
	s17 =	sadd.s32 @!p0 s4, s17  }
0x15: {  	[tilespmem:s19], [sflag:$0x3] =	stream.linear.gather @!p0 [hbm4b:s17+s19], $0x4000, $0x38;
	[tilespmem:$0x14400] =	vst v63  }
0x16: {  	s21 =	sor.u32 $0x20, s26;
	s28 =	sor.u32 $0x30, s26;
	s17 =	simm.s32 @!p0 $0x3  }
0x17: {  	s29 =	sor.u32 $0x40, s26;
	v2 =	vmov s26;
	s30 =	sor.u32 $0x50, s26;
	v0 =	vmov s20;
	_ =	swait.ge @!p0 [sflag:s17], $0x4000  }
0x18: {  	s31 =	sor.u32 $0x60, s26;
	v1 =	vmov s21;
	v3 =	vmov s28;
	v4 =	vmov s29;
	s19 =	sor.u32 $0x70, s26;
	[sflag:s17] =	ssyncset.done @!p0 $0x0  }
0x19: {  	v5 =	vmov s30;
	v6 =	vmov s31;
	v7 =	vmov s19;
	[sflag:s17] =	ssyncadd.s32 @!p0 $0xFFFFC000;
	s17 =	sor.u32 s18, s25;
	s18 =	simm.s32 $0x0  }
.LBB2_3:
0x1a: {  	s20 =	simm.s32 @p1 $0x1  }
0x1b: {  	s19 =	sshll.u32 s18, $0xF;
	_ =	swait.ge @p1 [sflag:s20], $0x8000  }
0x1c: {  	s19 =	sshra.s32 s19, $0x2;
	[sflag:s20] =	ssyncset.done @p1 $0x0  }
0x1d: {  	s21 =	sor.u32 $0x40, s19;
	[sflag:s20] =	ssyncadd.s32 @p1 $0xFFFF8000  }
0x1e: {  	v15 =	vld [tilespmem:s21+$0x30]  }
0x1f: {  	v13 =	vld [tilespmem:s21+$0xFFFFFFD0]  }
0x20: {  	v12 =	vld [tilespmem:s21+$0xFFFFFFE0]  }
0x21: {  	v11 =	vld [tilespmem:s21+$0xFFFFFFF0]  }
0x22: {  	v10 =	vld [tilespmem:s21+$0x0]  }
0x23: {  	v8 =	vld [tilespmem:s21+$0x10];
	v16 =	vadd.s32 v2, v15  }
0x24: {  	v9 =	vld [tilespmem:s21+$0x20];
	v17 =	vadd.s32 v2, v13  }
0x25: {  	v14 =	vld [tilespmem:s21+$0xFFFFFFC0];
	v18 =	vadd.s32 v2, v12  }
0x26: {  	v19 =	vadd.s32 v2, v11  }
0x27: {  	v20 =	vadd.s32 v2, v10  }
0x28: {  	v21 =	vadd.s32 v2, v8;
	v16 =	vld.idx.msk [tilespmem:v16+s8+$0x0], $0xffff  }
0x29: {  	v22 =	vadd.s32 v2, v9;
	v17 =	vld.idx.msk [tilespmem:v17+s8+$0x0], $0xffff  }
0x2a: {  	v24 =	vadd.s32 v2, v14;
	v18 =	vld.idx.msk [tilespmem:v18+s8+$0x0], $0xffff  }
0x2b: {  	v23 =	vadd.s32 v0, v15;
	v19 =	vld.idx.msk [tilespmem:v19+s8+$0x0], $0xffff  }
0x2c: {  	v25 =	vadd.s32 v0, v13;
	v20 =	vld.idx.msk [tilespmem:v20+s8+$0x0], $0xffff  }
0x2d: {  	s20 =	simm.s32 $0x4600;
	v26 =	vadd.s32 v0, v12;
	v21 =	vld.idx.msk [tilespmem:v21+s8+$0x0], $0xffff  }
0x2e: {  	v27 =	vadd.s32 v0, v11;
	v22 =	vld.idx.msk [tilespmem:v22+s8+$0x0], $0xffff;
	[tilespmem:s20+$0xFFFFFE70] =	vst v16  }
0x2f: {  	v28 =	vadd.s32 v0, v8;
	[tilespmem:s20+$0xFFFFFE10] =	vst v17;
	v17 =	vld.idx.msk [tilespmem:v24+s8+$0x0], $0xffff  }
0x30: {  	v16 =	vadd.s32 v0, v10;
	[tilespmem:s20+$0xFFFFFE20] =	vst v18;
	v23 =	vld.idx.msk [tilespmem:v23+s8+$0x0], $0xffff  }
0x31: {  	v63 =	vadd.s32 v0, v14;
	[tilespmem:s20+$0xFFFFFE30] =	vst v19;
	v18 =	vld.idx.msk [tilespmem:v25+s8+$0x0], $0xffff  }
0x32: {  	v32 =	vadd.s32 v0, v9;
	[tilespmem:s20+$0xFFFFFE40] =	vst v20;
	v19 =	vld.idx.msk [tilespmem:v26+s8+$0x0], $0xffff  }
0x33: {  	v62 =	vadd.s32 v1, v15;
	[tilespmem:s20+$0xFFFFFE50] =	vst v21;
	v20 =	vld.idx.msk [tilespmem:v27+s8+$0x0], $0xffff  }
0x34: {  	v33 =	vadd.s32 v1, v13;
	[tilespmem:s20+$0xFFFFFE60] =	vst v22;
	v28 =	vld.idx.msk [tilespmem:v28+s8+$0x0], $0xffff  }
0x35: {  	v34 =	vadd.s32 v1, v12;
	v16 =	vld.idx.msk [tilespmem:v16+s8+$0x0], $0xffff;
	[tilespmem:s20+$0xFFFFFE00] =	vst v17  }
0x36: {  	v35 =	vadd.s32 v1, v11;
	[tilespmem:s20+$0xFFFFFEF0] =	vst v23;
	v37 =	vld.idx.msk [tilespmem:v63+s8+$0x0], $0xffff  }
0x37: {  	v36 =	vadd.s32 v1, v10;
	[tilespmem:s20+$0xFFFFFE90] =	vst v18;
	v18 =	vld.idx.msk [tilespmem:v32+s8+$0x0], $0xffff  }
0x38: {  	v40 =	vadd.s32 v1, v8;
	[tilespmem:s20+$0xFFFFFEA0] =	vst v19;
	v17 =	vld.idx.msk [tilespmem:v62+s8+$0x0], $0xffff  }
0x39: {  	v39 =	vadd.s32 v1, v14;
	[tilespmem:s20+$0xFFFFFEB0] =	vst v20;
	v19 =	vld.idx.msk [tilespmem:v33+s8+$0x0], $0xffff  }
0x3a: {  	v41 =	vadd.s32 v1, v9;
	[tilespmem:s20+$0xFFFFFED0] =	vst v28;
	v20 =	vld.idx.msk [tilespmem:v34+s8+$0x0], $0xffff  }
0x3b: {  	v38 =	vadd.s32 v3, v15;
	[tilespmem:s20+$0xFFFFFEC0] =	vst v16;
	v16 =	vld.idx.msk [tilespmem:v35+s8+$0x0], $0xffff  }
0x3c: {  	v42 =	vadd.s32 v3, v13;
	v24 =	vld.idx.msk [tilespmem:v36+s8+$0x0], $0xffff;
	[tilespmem:s20+$0xFFFFFE80] =	vst v37  }
0x3d: {  	v44 =	vadd.s32 v3, v11;
	[tilespmem:s20+$0xFFFFFEE0] =	vst v18;
	v18 =	vld.idx.msk [tilespmem:v40+s8+$0x0], $0xffff  }
0x3e: {  	[tilespmem:s20+$0xFFFFFF70] =	vst v17;
	v17 =	vadd.s32 v3, v12;
	v26 =	vld.idx.msk [tilespmem:v39+s8+$0x0], $0xffff  }
0x3f: {  	v47 =	vadd.s32 v3, v10;
	[tilespmem:s20+$0xFFFFFF10] =	vst v19;
	v19 =	vld.idx.msk [tilespmem:v41+s8+$0x0], $0xffff  }
0x40: {  	v48 =	vadd.s32 v3, v8;
	[tilespmem:s20+$0xFFFFFF20] =	vst v20;
	v43 =	vld.idx.msk [tilespmem:v38+s8+$0x0], $0xffff  }
0x41: {  	v46 =	vadd.s32 v3, v14;
	v20 =	vld.idx.msk [tilespmem:v42+s8+$0x0], $0xffff;
	[tilespmem:s20+$0xFFFFFF30] =	vst v16  }
0x42: {  	v45 =	vadd.s32 v4, v15;
	v25 =	vld.idx.msk [tilespmem:v44+s8+$0x0], $0xffff;
	[tilespmem:s20+$0xFFFFFF40] =	vst v24  }
0x43: {  	[tilespmem:s20+$0xFFFFFF50] =	vst v18;
	v16 =	vld.idx.msk [tilespmem:v17+s8+$0x0], $0xffff;
	v17 =	vadd.s32 v3, v9  }
0x44: {  	v49 =	vadd.s32 v4, v13;
	[tilespmem:s20+$0xFFFFFF00] =	vst v26;
	v18 =	vld.idx.msk [tilespmem:v47+s8+$0x0], $0xffff  }
0x45: {  	v55 =	vadd.s32 v4, v11;
	[tilespmem:s20+$0xFFFFFF60] =	vst v19;
	v19 =	vld.idx.msk [tilespmem:v48+s8+$0x0], $0xffff  }
0x46: {  	v51 =	vadd.s32 v4, v12;
	[tilespmem:s20+$0xFFFFFFF0] =	vst v43;
	v52 =	vld.idx.msk [tilespmem:v46+s8+$0x0], $0xffff  }
0x47: {  	[tilespmem:s20+$0xFFFFFF90] =	vst v20;
	v20 =	vadd.s32 v4, v10;
	v50 =	vld.idx.msk [tilespmem:v45+s8+$0x0], $0xffff  }
0x48: {  	v54 =	vadd.s32 v4, v14;
	[tilespmem:s20+$0xFFFFFFB0] =	vst v25;
	v17 =	vld.idx.msk [tilespmem:v17+s8+$0x0], $0xffff  }
0x49: {  	v53 =	vadd.s32 v5, v15;
	[tilespmem:s20+$0xFFFFFFA0] =	vst v16;
	v16 =	vld.idx.msk [tilespmem:v49+s8+$0x0], $0xffff  }
0x4a: {  	v56 =	vadd.s32 v4, v8;
	[tilespmem:s20+$0xFFFFFFC0] =	vst v18;
	v18 =	vld.idx.msk [tilespmem:v55+s8+$0x0], $0xffff  }
0x4b: {  	v57 =	vadd.s32 v4, v9;
	[tilespmem:s20+$0xFFFFFFD0] =	vst v19;
	v27 =	vld.idx.msk [tilespmem:v51+s8+$0x0], $0xffff  }
0x4c: {  	v58 =	vadd.s32 v5, v13;
	[tilespmem:s20+$0xFFFFFF80] =	vst v52;
	v19 =	vld.idx.msk [tilespmem:v20+s8+$0x0], $0xffff  }
0x4d: {  	v62 =	vadd.s32 v5, v11;
	[tilespmem:s20+$0x70] =	vst v50;
	v59 =	vld.idx.msk [tilespmem:v54+s8+$0x0], $0xffff  }
0x4e: {  	v20 =	vadd.s32 v5, v12;
	v21 =	vld.idx.msk [tilespmem:v53+s8+$0x0], $0xffff;
	[tilespmem:s20+$0xFFFFFFE0] =	vst v17  }
0x4f: {  	v61 =	vadd.s32 v5, v14;
	v17 =	vld.idx.msk [tilespmem:v56+s8+$0x0], $0xffff;
	[tilespmem:s20+$0x10] =	vst v16  }
0x50: {  	v60 =	vadd.s32 v6, v15;
	[tilespmem:s20+$0x30] =	vst v18;
	v16 =	vld.idx.msk [tilespmem:v57+s8+$0x0], $0xffff  }
0x51: {  	v63 =	vadd.s32 v5, v10;
	v24 =	vld.idx.msk [tilespmem:v58+s8+$0x0], $0xffff;
	[tilespmem:s20+$0x20] =	vst v27  }
0x52: {  	v30 =	vadd.s32 v5, v8;
	[tilespmem:s20+$0x40] =	vst v19;
	v19 =	vld.idx.msk [tilespmem:v62+s8+$0x0], $0xffff  }
0x53: {  	v31 =	vadd.s32 v5, v9;
	[tilespmem:s20+$0x0] =	vst v59;
	v18 =	vld.idx.msk [tilespmem:v20+s8+$0x0], $0xffff  }
0x54: {  	v33 =	vadd.s32 v6, v13;
	[tilespmem:s20+$0xF0] =	vst v21;
	v32 =	vld.idx.msk [tilespmem:v61+s8+$0x0], $0xffff  }
0x55: {  	v34 =	vadd.s32 v6, v12;
	v23 =	vld.idx.msk [tilespmem:v60+s8+$0x0], $0xffff;
	[tilespmem:s20+$0x50] =	vst v17  }
0x56: {  	v20 =	vadd.s32 v6, v14;
	v17 =	vld.idx.msk [tilespmem:v63+s8+$0x0], $0xffff;
	[tilespmem:s20+$0x60] =	vst v16  }
0x57: {  	v15 =	vadd.s32 v7, v15;
	v16 =	vld.idx.msk [tilespmem:v30+s8+$0x0], $0xffff;
	[tilespmem:s20+$0x90] =	vst v24  }
0x58: {  	v35 =	vadd.s32 v6, v11;
	[tilespmem:s20+$0xB0] =	vst v19;
	v25 =	vld.idx.msk [tilespmem:v31+s8+$0x0], $0xffff  }
0x59: {  	v36 =	vadd.s32 v6, v10;
	[tilespmem:s20+$0xA0] =	vst v18;
	v18 =	vld.idx.msk [tilespmem:v33+s8+$0x0], $0xffff  }
0x5a: {  	v13 =	vadd.s32 v7, v13;
	[tilespmem:s20+$0x80] =	vst v32;
	v19 =	vld.idx.msk [tilespmem:v34+s8+$0x0], $0xffff  }
0x5b: {  	[tilespmem:s20+$0x170] =	vst v23;
	v20 =	vld.idx.msk [tilespmem:v20+s8+$0x0], $0xffff  }
0x5c: {  	v38 =	vadd.s32 v6, v9;
	v37 =	vld.idx.msk [tilespmem:v15+s8+$0x0], $0xffff;
	[tilespmem:s20+$0xC0] =	vst v17  }
0x5d: {  	v12 =	vadd.s32 v7, v12;
	v17 =	vld.idx.msk [tilespmem:v35+s8+$0x0], $0xffff;
	[tilespmem:s20+$0xD0] =	vst v16  }
0x5e: {  	v16 =	vld.idx.msk [tilespmem:v36+s8+$0x0], $0xffff;
	[tilespmem:s20+$0x110] =	vst v18  }
0x5f: {  	s23 =	sadd.s32 $0x80, s21;
	v15 =	vadd.s32 v6, v8;
	[tilespmem:s20+$0xE0] =	vst v25;
	v18 =	vld.idx.msk [tilespmem:v13+s8+$0x0], $0xffff  }
0x60: {  	v14 =	vadd.s32 v7, v14;
	[tilespmem:s20+$0x120] =	vst v19;
	v13 =	vld [tilespmem:s23+$0xFFFFFFF0]  }
0x61: {  	[tilespmem:s20+$0x100] =	vst v20;
	v20 =	vld.idx.msk [tilespmem:v38+s8+$0x0], $0xffff  }
0x62: {  	v19 =	vld.idx.msk [tilespmem:v12+s8+$0x0], $0xffff  }
0x63: {  	v12 =	vld [tilespmem:s23+$0x0]  }
0x64: {  	v11 =	vadd.s32 v7, v11;
	v39 =	vld.idx.msk [tilespmem:v15+s8+$0x0], $0xffff  }
0x65: {  	v40 =	vld.idx.msk [tilespmem:v14+s8+$0x0], $0xffff  }
0x66: {  	[tilespmem:s20+$0x130] =	vst v17;
	v17 =	vld [tilespmem:s23+$0x30]  }
0x67: {  	v10 =	vadd.s32 v7, v10;
	v15 =	vld [tilespmem:s23+$0xFFFFFFD0]  }
0x68: {  	v14 =	vld [tilespmem:s23+$0xFFFFFFE0]  }
0x69: {  	v8 =	vadd.s32 v7, v8;
	v41 =	vld.idx.msk [tilespmem:v11+s8+$0x0], $0xffff  }
0x6a: {  	v43 =	vadd.s32 v7, v9;
	[tilespmem:s20+$0x140] =	vst v16;
	v11 =	vld [tilespmem:s23+$0x20]  }
0x6b: {  	v16 =	vld [tilespmem:s23+$0xFFFFFFC0];
	[tilespmem:s20+$0x160] =	vst v20;
	v20 =	vadd.s32 v2, v13  }
0x6c: {  	v42 =	vld.idx.msk [tilespmem:v10+s8+$0x0], $0xffff;
	v29 =	vadd.s32 v2, v12  }
0x6d: {  	v10 =	vld [tilespmem:s23+$0x10];
	v44 =	vadd.s32 v2, v17;
	[tilespmem:s20+$0x150] =	vst v39  }
0x6e: {  	v45 =	vadd.s32 v2, v15;
	v9 =	vld.idx.msk [tilespmem:v8+s8+$0x0], $0xffff  }
0x6f: {  	v46 =	vadd.s32 v2, v14;
	v8 =	vld.idx.msk [tilespmem:v43+s8+$0x0], $0xffff  }
0x70: {  	[tilespmem:s20+$0x1F0] =	vst v37;
	v49 =	vadd.s32 v2, v11;
	v20 =	vld.idx.msk [tilespmem:v20+s8+$0x0], $0xffff  }
0x71: {  	[tilespmem:s20+$0x1A0] =	vst v19;
	v19 =	vadd.s32 v2, v16;
	v52 =	vld.idx.msk [tilespmem:v29+s8+$0x0], $0xffff  }
0x72: {  	[tilespmem:s20+$0x190] =	vst v18;
	v47 =	vadd.s32 v2, v10;
	v26 =	vld.idx.msk [tilespmem:v44+s8+$0x0], $0xffff  }
0x73: {  	v54 =	vadd.s32 v0, v13;
	[tilespmem:s20+$0x180] =	vst v40;
	v48 =	vld.idx.msk [tilespmem:v45+s8+$0x0], $0xffff  }
0x74: {  	v55 =	vadd.s32 v0, v12;
	[tilespmem:s20+$0x1B0] =	vst v41;
	v18 =	vld.idx.msk [tilespmem:v46+s8+$0x0], $0xffff  }
0x75: {  	s21 =	simm.s32 $0x4A00;
	v51 =	vadd.s32 v0, v15;
	[tilespmem:s20+$0x1C0] =	vst v42;
	v27 =	vld.idx.msk [tilespmem:v49+s8+$0x0], $0xffff  }
0x76: {  	v50 =	vadd.s32 v0, v17;
	v19 =	vld.idx.msk [tilespmem:v19+s8+$0x0], $0xffff;
	[tilespmem:s21+$0xFFFFFE30] =	vst v20  }
0x77: {  	v53 =	vadd.s32 v0, v14;
	v25 =	vld.idx.msk [tilespmem:v47+s8+$0x0], $0xffff;
	[tilespmem:s21+$0xFFFFFE40] =	vst v52  }
0x78: {  	v57 =	vadd.s32 v0, v16;
	[tilespmem:s21+$0xFFFFFE70] =	vst v26;
	v29 =	vld.idx.msk [tilespmem:v54+s8+$0x0], $0xffff  }
0x79: {  	v56 =	vadd.s32 v0, v10;
	[tilespmem:s21+$0xFFFFFE10] =	vst v48;
	v26 =	vld.idx.msk [tilespmem:v55+s8+$0x0], $0xffff  }
0x7a: {  	v58 =	vadd.s32 v0, v11;
	[tilespmem:s21+$0xFFFFFE20] =	vst v18;
	v18 =	vld.idx.msk [tilespmem:v51+s8+$0x0], $0xffff  }
0x7b: {  	v61 =	vadd.s32 v1, v13;
	v21 =	vld.idx.msk [tilespmem:v50+s8+$0x0], $0xffff;
	[tilespmem:s21+$0xFFFFFE60] =	vst v27  }
0x7c: {  	v20 =	vadd.s32 v1, v17;
	v24 =	vld.idx.msk [tilespmem:v53+s8+$0x0], $0xffff;
	[tilespmem:s21+$0xFFFFFE00] =	vst v19  }
0x7d: {  	v59 =	vadd.s32 v1, v15;
	[tilespmem:s21+$0xFFFFFE50] =	vst v25;
	v23 =	vld.idx.msk [tilespmem:v57+s8+$0x0], $0xffff  }
0x7e: {  	v60 =	vadd.s32 v1, v14;
	v22 =	vld.idx.msk [tilespmem:v56+s8+$0x0], $0xffff;
	[tilespmem:s21+$0xFFFFFEB0] =	vst v29  }
0x7f: {  	v63 =	vadd.s32 v1, v16;
	[tilespmem:s21+$0xFFFFFE90] =	vst v18;
	v18 =	vld.idx.msk [tilespmem:v58+s8+$0x0], $0xffff  }
0x80: {  	v32 =	vadd.s32 v1, v10;
	[tilespmem:s21+$0xFFFFFEF0] =	vst v21;
	v21 =	vld.idx.msk [tilespmem:v61+s8+$0x0], $0xffff  }
0x81: {  	[tilespmem:s21+$0xFFFFFEC0] =	vst v26;
	v19 =	vld.idx.msk [tilespmem:v20+s8+$0x0], $0xffff;
	v20 =	vadd.s32 v1, v12  }
0x82: {  	v33 =	vadd.s32 v1, v11;
	[tilespmem:s21+$0xFFFFFEA0] =	vst v24;
	v25 =	vld.idx.msk [tilespmem:v59+s8+$0x0], $0xffff  }
0x83: {  	v36 =	vadd.s32 v3, v13;
	v27 =	vld.idx.msk [tilespmem:v60+s8+$0x0], $0xffff;
	[tilespmem:s21+$0xFFFFFE80] =	vst v23  }
0x84: {  	v62 =	vadd.s32 v3, v17;
	[tilespmem:s21+$0xFFFFFED0] =	vst v22;
	v28 =	vld.idx.msk [tilespmem:v63+s8+$0x0], $0xffff  }
0x85: {  	v34 =	vadd.s32 v3, v15;
	[tilespmem:s21+$0xFFFFFEE0] =	vst v18;
	v18 =	vld.idx.msk [tilespmem:v32+s8+$0x0], $0xffff  }
0x86: {  	v38 =	vadd.s32 v3, v16;
	[tilespmem:s21+$0xFFFFFF30] =	vst v21;
	v20 =	vld.idx.msk [tilespmem:v20+s8+$0x0], $0xffff  }
0x87: {  	[tilespmem:s21+$0xFFFFFF70] =	vst v19;
	v19 =	vadd.s32 v3, v14;
	v26 =	vld.idx.msk [tilespmem:v33+s8+$0x0], $0xffff  }
0x88: {  	v40 =	vadd.s32 v3, v10;
	[tilespmem:s21+$0xFFFFFF10] =	vst v25;
	v24 =	vld.idx.msk [tilespmem:v36+s8+$0x0], $0xffff  }
0x89: {  	v39 =	vadd.s32 v3, v12;
	[tilespmem:s21+$0xFFFFFF20] =	vst v27;
	v35 =	vld.idx.msk [tilespmem:v62+s8+$0x0], $0xffff  }
0x8a: {  	v37 =	vadd.s32 v4, v17;
	v22 =	vld.idx.msk [tilespmem:v34+s8+$0x0], $0xffff;
	[tilespmem:s21+$0xFFFFFF00] =	vst v28  }
0x8b: {  	v41 =	vadd.s32 v4, v15;
	v29 =	vld.idx.msk [tilespmem:v38+s8+$0x0], $0xffff;
	[tilespmem:s21+$0xFFFFFF50] =	vst v18  }
0x8c: {  	v44 =	vadd.s32 v4, v16;
	v19 =	vld.idx.msk [tilespmem:v19+s8+$0x0], $0xffff;
	[tilespmem:s21+$0xFFFFFF40] =	vst v20  }
0x8d: {  	v20 =	vadd.s32 v3, v11;
	[tilespmem:s21+$0xFFFFFF60] =	vst v26;
	v21 =	vld.idx.msk [tilespmem:v40+s8+$0x0], $0xffff  }
0x8e: {  	v42 =	vadd.s32 v4, v14;
	[tilespmem:s21+$0xFFFFFFF0] =	vst v35;
	v18 =	vld.idx.msk [tilespmem:v39+s8+$0x0], $0xffff  }
0x8f: {  	v45 =	vadd.s32 v4, v13;
	[tilespmem:s21+$0xFFFFFF90] =	vst v22;
	v25 =	vld.idx.msk [tilespmem:v37+s8+$0x0], $0xffff  }
0x90: {  	v46 =	vadd.s32 v4, v10;
	v23 =	vld.idx.msk [tilespmem:v41+s8+$0x0], $0xffff;
	[tilespmem:s21+$0xFFFFFF80] =	vst v29  }
0x91: {  	v43 =	vadd.s32 v5, v17;
	[tilespmem:s21+$0xFFFFFFB0] =	vst v24;
	v27 =	vld.idx.msk [tilespmem:v44+s8+$0x0], $0xffff  }
0x92: {  	v48 =	vadd.s32 v5, v15;
	[tilespmem:s21+$0xFFFFFFA0] =	vst v19;
	v19 =	vld.idx.msk [tilespmem:v20+s8+$0x0], $0xffff  }
0x93: {  	v50 =	vadd.s32 v5, v16;
	[tilespmem:s21+$0xFFFFFFD0] =	vst v21;
	v28 =	vld.idx.msk [tilespmem:v42+s8+$0x0], $0xffff  }
0x94: {  	v20 =	vadd.s32 v4, v12;
	[tilespmem:s21+$0xFFFFFFC0] =	vst v18;
	v18 =	vld.idx.msk [tilespmem:v45+s8+$0x0], $0xffff  }
0x95: {  	v47 =	vadd.s32 v4, v11;
	v51 =	vld.idx.msk [tilespmem:v46+s8+$0x0], $0xffff;
	[tilespmem:s21+$0x70] =	vst v25  }
0x96: {  	v54 =	vadd.s32 v5, v10;
	[tilespmem:s21+$0x10] =	vst v23;
	v26 =	vld.idx.msk [tilespmem:v43+s8+$0x0], $0xffff  }
0x97: {  	v49 =	vadd.s32 v6, v17;
	v29 =	vld.idx.msk [tilespmem:v48+s8+$0x0], $0xffff;
	[tilespmem:s21+$0x0] =	vst v27  }
0x98: {  	v56 =	vadd.s32 v6, v15;
	v22 =	vld.idx.msk [tilespmem:v50+s8+$0x0], $0xffff;
	[tilespmem:s21+$0xFFFFFFE0] =	vst v19  }
0x99: {  	v20 =	vld.idx.msk [tilespmem:v20+s8+$0x0], $0xffff;
	v19 =	vadd.s32 v5, v14;
	[tilespmem:s21+$0x20] =	vst v28  }
0x9a: {  	v52 =	vadd.s32 v5, v13;
	v25 =	vld.idx.msk [tilespmem:v47+s8+$0x0], $0xffff;
	[tilespmem:s21+$0x50] =	vst v51  }
0x9b: {  	v53 =	vadd.s32 v5, v12;
	[tilespmem:s21+$0xF0] =	vst v26;
	v26 =	vld.idx.msk [tilespmem:v54+s8+$0x0], $0xffff  }
0x9c: {  	v55 =	vadd.s32 v5, v11;
	[tilespmem:s21+$0x90] =	vst v29;
	v21 =	vld.idx.msk [tilespmem:v49+s8+$0x0], $0xffff  }
0x9d: {  	v61 =	vadd.s32 v6, v10;
	[tilespmem:s21+$0x30] =	vst v18;
	v23 =	vld.idx.msk [tilespmem:v56+s8+$0x0], $0xffff  }
0x9e: {  	v17 =	vadd.s32 v7, v17;
	[tilespmem:s21+$0x80] =	vst v22;
	v18 =	vld.idx.msk [tilespmem:v19+s8+$0x0], $0xffff  }
0x9f: {  	[tilespmem:s21+$0x40] =	vst v20;
	v19 =	vadd.s32 v6, v16;
	v20 =	vld.idx.msk [tilespmem:v52+s8+$0x0], $0xffff  }
0xa0: {  	v58 =	vadd.s32 v6, v14;
	v57 =	vld.idx.msk [tilespmem:v53+s8+$0x0], $0xffff;
	[tilespmem:s21+$0x60] =	vst v25  }
0xa1: {  	v59 =	vadd.s32 v6, v13;
	v27 =	vld.idx.msk [tilespmem:v55+s8+$0x0], $0xffff;
	[tilespmem:s21+$0xD0] =	vst v26  }
0xa2: {  	v60 =	vadd.s32 v6, v12;
	[tilespmem:s21+$0x170] =	vst v21;
	v22 =	vld.idx.msk [tilespmem:v61+s8+$0x0], $0xffff  }
0xa3: {  	v15 =	vadd.s32 v7, v15;
	[tilespmem:s21+$0x110] =	vst v23;
	v17 =	vld.idx.msk [tilespmem:v17+s8+$0x0], $0xffff  }
0xa4: {  	v19 =	vld.idx.msk [tilespmem:v19+s8+$0x0], $0xffff;
	[tilespmem:s21+$0xA0] =	vst v18;
	v18 =	vadd.s32 v6, v11  }
0xa5: {  	[tilespmem:s21+$0xB0] =	vst v20;
	v20 =	vadd.s32 v7, v16;
	v25 =	vld.idx.msk [tilespmem:v58+s8+$0x0], $0xffff  }
0xa6: {  	v63 =	vadd.s32 v7, v14;
	[tilespmem:s21+$0xC0] =	vst v57;
	v62 =	vld.idx.msk [tilespmem:v59+s8+$0x0], $0xffff  }
0xa7: {  	v13 =	vadd.s32 v7, v13;
	v21 =	vld.idx.msk [tilespmem:v60+s8+$0x0], $0xffff;
	[tilespmem:s21+$0xE0] =	vst v27  }
0xa8: {  	v15 =	vld.idx.msk [tilespmem:v15+s8+$0x0], $0xffff;
	[tilespmem:s21+$0x1F0] =	vst v17;
	v17 =	vadd.s32 v7, v12  }
0xa9: {  	[tilespmem:s21+$0x100] =	vst v19;
	v16 =	vld.idx.msk [tilespmem:v18+s8+$0x0], $0xffff  }
0xaa: {  	v14 =	vld.idx.msk [tilespmem:v20+s8+$0x0], $0xffff;
	[tilespmem:s21+$0x120] =	vst v25  }
0xab: {  	[tilespmem:s21+$0x130] =	vst v62;
	v18 =	vld.idx.msk [tilespmem:v63+s8+$0x0], $0xffff  }
0xac: {  	v13 =	vld.idx.msk [tilespmem:v13+s8+$0x0], $0xffff;
	[tilespmem:s21+$0x140] =	vst v21  }
0xad: {  	p0 =	por p2, p2;
	s22 =	simm.s32 $0x8;
	s23 =	sadd.s32 $0x80, s23;
	v11 =	vadd.s32 v7, v11;
	[tilespmem:s21+$0x150] =	vst v22;
	v12 =	vadd.s32 v7, v10;
	v17 =	vld.idx.msk [tilespmem:v17+s8+$0x0], $0xffff  }
.LBB2_4:
0xae: {  	v10 =	vld [tilespmem:s23+$0x30];
	s22 =	sadd.s32 $0x8, s22;
	[tilespmem:s21+$0x160] =	vst v16  }
0xaf: {  	v21 =	vld [tilespmem:s23+$0xFFFFFFD0];
	p2 =	slt.u32 s22, $0xF8;
	[tilespmem:s21+$0x180] =	vst v14  }
0xb0: {  	v25 =	vld [tilespmem:s23+$0xFFFFFFE0];
	[tilespmem:s21+$0x190] =	vst v15  }
0xb1: {  	v26 =	vld [tilespmem:s23+$0xFFFFFFF0];
	[tilespmem:s21+$0x1A0] =	vst v18  }
0xb2: {  	v27 =	vld [tilespmem:s23+$0x0];
	[tilespmem:s21+$0x1B0] =	vst v13  }
0xb3: {  	v28 =	vld [tilespmem:s23+$0x10];
	v13 =	vadd.s32 v2, v10;
	[tilespmem:s21+$0x1C0] =	vst v17  }
0xb4: {  	v14 =	vadd.s32 v2, v21;
	v15 =	vadd.s32 v0, v21;
	v17 =	vadd.s32 v1, v21;
	v29 =	vld [tilespmem:s23+$0x20];
	[tilespmem:s20+$0x1D0] =	vst v9  }
0xb5: {  	v20 =	vld [tilespmem:s23+$0xFFFFFFC0];
	v16 =	vadd.s32 v2, v25;
	v18 =	vadd.s32 v0, v25;
	v30 =	vadd.s32 v1, v25;
	[tilespmem:s20+$0x1E0] =	vst v8;
	s20 =	smov.u32 s21  }
0xb6: {  	v19 =	vadd.s32 v2, v26;
	v22 =	vadd.s32 v0, v26;
	v31 =	vadd.s32 v1, v26;
	v9 =	vld.idx.msk [tilespmem:v12+s8+$0x0], $0xffff  }
0xb7: {  	v12 =	vadd.s32 v2, v27;
	v23 =	vadd.s32 v0, v27;
	v32 =	vadd.s32 v1, v27;
	v8 =	vld.idx.msk [tilespmem:v11+s8+$0x0], $0xffff  }
0xb8: {  	v11 =	vadd.s32 v2, v28;
	v24 =	vadd.s32 v0, v28;
	v33 =	vadd.s32 v1, v28;
	v13 =	vld.idx.msk [tilespmem:v13+s8+$0x0], $0xffff  }
0xb9: {  	v14 =	vld.idx.msk [tilespmem:v14+s8+$0x0], $0xffff;
	v34 =	vadd.s32 v2, v29;
	v35 =	vadd.s32 v0, v29;
	v36 =	vadd.s32 v1, v29  }
0xba: {  	v39 =	vadd.s32 v0, v10;
	v37 =	vadd.s32 v2, v20;
	v38 =	vadd.s32 v0, v20;
	v16 =	vld.idx.msk [tilespmem:v16+s8+$0x0], $0xffff  }
0xbb: {  	v42 =	vadd.s32 v3, v21;
	v40 =	vadd.s32 v1, v20;
	v41 =	vadd.s32 v3, v20;
	v19 =	vld.idx.msk [tilespmem:v19+s8+$0x0], $0xffff  }
0xbc: {  	v43 =	vadd.s32 v3, v25;
	v44 =	vadd.s32 v3, v26;
	v45 =	vadd.s32 v3, v27;
	v12 =	vld.idx.msk [tilespmem:v12+s8+$0x0], $0xffff  }
0xbd: {  	s21 =	sadd.s32 $0x400, s21;
	v47 =	vadd.s32 v3, v28;
	v48 =	vadd.s32 v3, v29;
	v46 =	vadd.s32 v4, v20;
	v11 =	vld.idx.msk [tilespmem:v11+s8+$0x0], $0xffff  }
0xbe: {  	v49 =	vadd.s32 v4, v21;
	v50 =	vadd.s32 v4, v25;
	v34 =	vld.idx.msk [tilespmem:v34+s8+$0x0], $0xffff;
	[tilespmem:s21+$0xFFFFFE70] =	vst v13  }
0xbf: {  	v51 =	vadd.s32 v4, v26;
	v52 =	vadd.s32 v4, v27;
	[tilespmem:s21+$0xFFFFFE10] =	vst v14;
	v13 =	vld.idx.msk [tilespmem:v39+s8+$0x0], $0xffff  }
0xc0: {  	v53 =	vadd.s32 v4, v29;
	v39 =	vadd.s32 v4, v28;
	v37 =	vld.idx.msk [tilespmem:v37+s8+$0x0], $0xffff;
	[tilespmem:s21+$0xFFFFFE20] =	vst v16  }
0xc1: {  	v54 =	vadd.s32 v5, v20;
	v15 =	vld.idx.msk [tilespmem:v15+s8+$0x0], $0xffff;
	[tilespmem:s21+$0xFFFFFE30] =	vst v19;
	v19 =	vadd.s32 v1, v10  }
0xc2: {  	v55 =	vadd.s32 v5, v21;
	v57 =	vadd.s32 v5, v25;
	v56 =	vld.idx.msk [tilespmem:v18+s8+$0x0], $0xffff;
	[tilespmem:s21+$0xFFFFFE40] =	vst v12  }
0xc3: {  	v58 =	vadd.s32 v5, v26;
	v59 =	vadd.s32 v5, v27;
	v12 =	vld.idx.msk [tilespmem:v22+s8+$0x0], $0xffff;
	[tilespmem:s21+$0xFFFFFE50] =	vst v11  }
0xc4: {  	v60 =	vadd.s32 v5, v28;
	v11 =	vld.idx.msk [tilespmem:v23+s8+$0x0], $0xffff;
	[tilespmem:s21+$0xFFFFFE60] =	vst v34;
	v34 =	vadd.s32 v5, v29  }
0xc5: {  	v14 =	vadd.s32 v6, v21;
	v22 =	vadd.s32 v6, v20;
	v61 =	vld.idx.msk [tilespmem:v24+s8+$0x0], $0xffff;
	[tilespmem:s21+$0xFFFFFEF0] =	vst v13  }
0xc6: {  	v16 =	vadd.s32 v6, v26;
	v23 =	vadd.s32 v6, v25;
	[tilespmem:s21+$0xFFFFFE00] =	vst v37;
	v37 =	vld.idx.msk [tilespmem:v19+s8+$0x0], $0xffff  }
0xc7: {  	v18 =	vadd.s32 v6, v28;
	v24 =	vadd.s32 v6, v27;
	v38 =	vld.idx.msk [tilespmem:v38+s8+$0x0], $0xffff;
	[tilespmem:s21+$0xFFFFFE90] =	vst v15  }
0xc8: {  	v19 =	vadd.s32 v6, v29;
	[tilespmem:s21+$0xFFFFFEA0] =	vst v56;
	v35 =	vld.idx.msk [tilespmem:v35+s8+$0x0], $0xffff;
	v56 =	vadd.s32 v3, v10  }
0xc9: {  	v20 =	vadd.s32 v7, v20;
	v15 =	vadd.s32 v7, v21;
	v62 =	vld.idx.msk [tilespmem:v17+s8+$0x0], $0xffff;
	[tilespmem:s21+$0xFFFFFEB0] =	vst v12  }
0xca: {  	v13 =	vadd.s32 v7, v26;
	v21 =	vadd.s32 v7, v25;
	v30 =	vld.idx.msk [tilespmem:v30+s8+$0x0], $0xffff;
	[tilespmem:s21+$0xFFFFFEC0] =	vst v11  }
0xcb: {  	v17 =	vadd.s32 v7, v27;
	v12 =	vadd.s32 v7, v28;
	v25 =	vld.idx.msk [tilespmem:v31+s8+$0x0], $0xffff;
	[tilespmem:s21+$0xFFFFFED0] =	vst v61  }
0xcc: {  	v11 =	vadd.s32 v7, v29;
	v26 =	vld.idx.msk [tilespmem:v32+s8+$0x0], $0xffff;
	[tilespmem:s21+$0xFFFFFF70] =	vst v37  }
0xcd: {  	[tilespmem:s21+$0xFFFFFE80] =	vst v38;
	v27 =	vld.idx.msk [tilespmem:v56+s8+$0x0], $0xffff  }
0xce: {  	v28 =	vld.idx.msk [tilespmem:v40+s8+$0x0], $0xffff;
	[tilespmem:s21+$0xFFFFFEE0] =	vst v35  }
0xcf: {  	v31 =	vadd.s32 v4, v10;
	[tilespmem:s21+$0xFFFFFF10] =	vst v62;
	v29 =	vld.idx.msk [tilespmem:v33+s8+$0x0], $0xffff  }
0xd0: {  	[tilespmem:s21+$0xFFFFFF20] =	vst v30;
	v30 =	vld.idx.msk [tilespmem:v36+s8+$0x0], $0xffff  }
0xd1: {  	v32 =	vld.idx.msk [tilespmem:v42+s8+$0x0], $0xffff;
	[tilespmem:s21+$0xFFFFFF30] =	vst v25  }
0xd2: {  	v25 =	vld.idx.msk [tilespmem:v43+s8+$0x0], $0xffff;
	[tilespmem:s21+$0xFFFFFF40] =	vst v26  }
0xd3: {  	v26 =	vld.idx.msk [tilespmem:v44+s8+$0x0], $0xffff;
	[tilespmem:s21+$0xFFFFFFF0] =	vst v27  }
0xd4: {  	[tilespmem:s21+$0xFFFFFF00] =	vst v28;
	v27 =	vld.idx.msk [tilespmem:v31+s8+$0x0], $0xffff  }
0xd5: {  	v28 =	vld.idx.msk [tilespmem:v41+s8+$0x0], $0xffff;
	[tilespmem:s21+$0xFFFFFF50] =	vst v29  }
0xd6: {  	v29 =	vld.idx.msk [tilespmem:v45+s8+$0x0], $0xffff;
	[tilespmem:s21+$0xFFFFFF60] =	vst v30;
	v30 =	vadd.s32 v5, v10  }
0xd7: {  	[tilespmem:s21+$0xFFFFFF90] =	vst v32;
	v31 =	vld.idx.msk [tilespmem:v47+s8+$0x0], $0xffff  }
0xd8: {  	[tilespmem:s21+$0xFFFFFFA0] =	vst v25;
	v25 =	vld.idx.msk [tilespmem:v48+s8+$0x0], $0xffff  }
0xd9: {  	v32 =	vld.idx.msk [tilespmem:v49+s8+$0x0], $0xffff;
	[tilespmem:s21+$0xFFFFFFB0] =	vst v26  }
0xda: {  	v26 =	vld.idx.msk [tilespmem:v50+s8+$0x0], $0xffff;
	[tilespmem:s21+$0x70] =	vst v27  }
0xdb: {  	[tilespmem:s21+$0xFFFFFF80] =	vst v28;
	v27 =	vld.idx.msk [tilespmem:v30+s8+$0x0], $0xffff  }
0xdc: {  	v28 =	vld.idx.msk [tilespmem:v46+s8+$0x0], $0xffff;
	[tilespmem:s21+$0xFFFFFFC0] =	vst v29  }
0xdd: {  	v30 =	vadd.s32 v6, v10;
	v29 =	vld.idx.msk [tilespmem:v51+s8+$0x0], $0xffff;
	[tilespmem:s21+$0xFFFFFFD0] =	vst v31  }
0xde: {  	v31 =	vld.idx.msk [tilespmem:v52+s8+$0x0], $0xffff;
	[tilespmem:s21+$0xFFFFFFE0] =	vst v25  }
0xdf: {  	[tilespmem:s21+$0x10] =	vst v32;
	v25 =	vld.idx.msk [tilespmem:v39+s8+$0x0], $0xffff  }
0xe0: {  	[tilespmem:s21+$0x20] =	vst v26;
	v26 =	vld.idx.msk [tilespmem:v53+s8+$0x0], $0xffff  }
0xe1: {  	v32 =	vld.idx.msk [tilespmem:v55+s8+$0x0], $0xffff;
	[tilespmem:s21+$0xF0] =	vst v27  }
0xe2: {  	[tilespmem:s21+$0x0] =	vst v28;
	v27 =	vld.idx.msk [tilespmem:v30+s8+$0x0], $0xffff  }
0xe3: {  	v28 =	vld.idx.msk [tilespmem:v54+s8+$0x0], $0xffff;
	[tilespmem:s21+$0x30] =	vst v29  }
0xe4: {  	v10 =	vadd.s32 v7, v10;
	v29 =	vld.idx.msk [tilespmem:v57+s8+$0x0], $0xffff;
	[tilespmem:s21+$0x40] =	vst v31  }
0xe5: {  	v30 =	vld.idx.msk [tilespmem:v58+s8+$0x0], $0xffff;
	[tilespmem:s21+$0x50] =	vst v25  }
0xe6: {  	v25 =	vld.idx.msk [tilespmem:v59+s8+$0x0], $0xffff;
	[tilespmem:s21+$0x60] =	vst v26  }
0xe7: {  	[tilespmem:s21+$0x90] =	vst v32;
	v26 =	vld.idx.msk [tilespmem:v60+s8+$0x0], $0xffff  }
0xe8: {  	v31 =	vld.idx.msk [tilespmem:v34+s8+$0x0], $0xffff;
	[tilespmem:s21+$0x170] =	vst v27  }
0xe9: {  	[tilespmem:s21+$0x80] =	vst v28;
	v10 =	vld.idx.msk [tilespmem:v10+s8+$0x0], $0xffff  }
0xea: {  	v22 =	vld.idx.msk [tilespmem:v22+s8+$0x0], $0xffff;
	[tilespmem:s21+$0xA0] =	vst v29  }
0xeb: {  	v27 =	vld.idx.msk [tilespmem:v14+s8+$0x0], $0xffff;
	[tilespmem:s21+$0xB0] =	vst v30  }
0xec: {  	v23 =	vld.idx.msk [tilespmem:v23+s8+$0x0], $0xffff;
	[tilespmem:s21+$0xC0] =	vst v25  }
0xed: {  	v25 =	vld.idx.msk [tilespmem:v16+s8+$0x0], $0xffff;
	[tilespmem:s21+$0xD0] =	vst v26  }
0xee: {  	v24 =	vld.idx.msk [tilespmem:v24+s8+$0x0], $0xffff;
	[tilespmem:s21+$0xE0] =	vst v31  }
0xef: {  	v26 =	vld.idx.msk [tilespmem:v18+s8+$0x0], $0xffff;
	[tilespmem:s21+$0x1F0] =	vst v10  }
0xf0: {  	[tilespmem:s21+$0x100] =	vst v22;
	v16 =	vld.idx.msk [tilespmem:v19+s8+$0x0], $0xffff  }
.Ltmp0:
0xf1: {  	v14 =	vld.idx.msk [tilespmem:v20+s8+$0x0], $0xffff;
	[tilespmem:s21+$0x110] =	vst v27;
	(pc) =	sbr.rel @p2 .LBB2_4-.Ltmp0, $4  }
0xf2: {  	v15 =	vld.idx.msk [tilespmem:v15+s8+$0x0], $0xffff;
	[tilespmem:s21+$0x120] =	vst v23  }
0xf3: {  	v18 =	vld.idx.msk [tilespmem:v21+s8+$0x0], $0xffff;
	[tilespmem:s21+$0x130] =	vst v25  }
0xf4: {  	v13 =	vld.idx.msk [tilespmem:v13+s8+$0x0], $0xffff;
	[tilespmem:s21+$0x140] =	vst v24  }
0xf5: {  	s23 =	sadd.s32 $0x80, s23;
	v17 =	vld.idx.msk [tilespmem:v17+s8+$0x0], $0xffff;
	[tilespmem:s21+$0x150] =	vst v26  }
0xf6: {  	_ = 	snop  }
0xf7: {  	[tilespmem:s21+$0x160] =	vst v16  }
0xf8: {  	[tilespmem:s21+$0x180] =	vst v14  }
0xf9: {  	[tilespmem:s20+$0x1D0] =	vst v9  }
0xfa: {  	v10 =	vld.idx.msk [tilespmem:v12+s8+$0x0], $0xffff;
	[tilespmem:s20+$0x1E0] =	vst v8  }
0xfb: {  	[tilespmem:s21+$0x190] =	vst v15;
	v11 =	vld.idx.msk [tilespmem:v11+s8+$0x0], $0xffff  }
0xfc: {  	[tilespmem:s21+$0x1A0] =	vst v18  }
0xfd: {  	s22 =	sshll.u32 s18, $0x10;
	[tilespmem:s21+$0x1B0] =	vst v13  }
0xfe: {  	s29 =	sor.u32 s17, s22;
	[tilespmem:s21+$0x1C0] =	vst v17  }
0xff: {  	s20 =	sshrl.u32 s29, $0x3;
	[tilespmem:s21+$0x1D0] =	vst v10  }
0x100: {  	s20 =	sadd.s32 s1, s20;
	[tilespmem:s21+$0x1E0] =	vst v11  }
0x101: {  	[hbm4b:s20+s2] =	stream.linear.scatter [tilespmem:s10], [sflag:$0x1], $0x8000, $0x38;
	[tilespmem:$0x14400] =	vst v63  }
0x102: {  	s20 =	simm.s32 @p1 $0x2  }
0x103: {  	_ =	swait.ge @p1 [sflag:s20], $0x8000  }
0x104: {  	[sflag:s20] =	ssyncset.done @p1 $0x0  }
0x105: {  	s30 =	sadd.s32 $0x1070, s19;
	[sflag:s20] =	ssyncadd.s32 @p1 $0xFFFF8000  }
0x106: {  	v15 =	vld [tilespmem:s30+$0x0]  }
0x107: {  	v13 =	vld [tilespmem:s30+$0xFFFFFFA0]  }
0x108: {  	v12 =	vld [tilespmem:s30+$0xFFFFFFB0]  }
0x109: {  	v11 =	vld [tilespmem:s30+$0xFFFFFFC0]  }
0x10a: {  	v10 =	vld [tilespmem:s30+$0xFFFFFFD0]  }
0x10b: {  	v8 =	vld [tilespmem:s30+$0xFFFFFFE0];
	v16 =	vadd.s32 v2, v15  }
0x10c: {  	v9 =	vld [tilespmem:s30+$0xFFFFFFF0];
	v17 =	vadd.s32 v2, v13  }
0x10d: {  	v14 =	vld [tilespmem:s30+$0xFFFFFF90];
	v18 =	vadd.s32 v2, v12  }
0x10e: {  	v19 =	vadd.s32 v2, v11  }
0x10f: {  	v20 =	vadd.s32 v2, v10  }
0x110: {  	v21 =	vadd.s32 v2, v8;
	v16 =	vld.idx.msk [tilespmem:v16+s8+$0x0], $0xffff  }
0x111: {  	v22 =	vadd.s32 v2, v9;
	v17 =	vld.idx.msk [tilespmem:v17+s8+$0x0], $0xffff  }
0x112: {  	v24 =	vadd.s32 v2, v14;
	v18 =	vld.idx.msk [tilespmem:v18+s8+$0x0], $0xffff  }
0x113: {  	v23 =	vadd.s32 v0, v15;
	v19 =	vld.idx.msk [tilespmem:v19+s8+$0x0], $0xffff  }
0x114: {  	v25 =	vadd.s32 v0, v13;
	v20 =	vld.idx.msk [tilespmem:v20+s8+$0x0], $0xffff  }
0x115: {  	s19 =	simm.s32 $0xC600;
	v26 =	vadd.s32 v0, v12;
	v21 =	vld.idx.msk [tilespmem:v21+s8+$0x0], $0xffff  }
0x116: {  	v27 =	vadd.s32 v0, v11;
	v22 =	vld.idx.msk [tilespmem:v22+s8+$0x0], $0xffff;
	[tilespmem:s19+$0xFFFFFE70] =	vst v16  }
0x117: {  	v28 =	vadd.s32 v0, v8;
	[tilespmem:s19+$0xFFFFFE10] =	vst v17;
	v17 =	vld.idx.msk [tilespmem:v24+s8+$0x0], $0xffff  }
0x118: {  	v16 =	vadd.s32 v0, v10;
	[tilespmem:s19+$0xFFFFFE20] =	vst v18;
	v23 =	vld.idx.msk [tilespmem:v23+s8+$0x0], $0xffff  }
0x119: {  	v63 =	vadd.s32 v0, v14;
	[tilespmem:s19+$0xFFFFFE30] =	vst v19;
	v18 =	vld.idx.msk [tilespmem:v25+s8+$0x0], $0xffff  }
0x11a: {  	v32 =	vadd.s32 v0, v9;
	[tilespmem:s19+$0xFFFFFE40] =	vst v20;
	v19 =	vld.idx.msk [tilespmem:v26+s8+$0x0], $0xffff  }
0x11b: {  	v62 =	vadd.s32 v1, v15;
	[tilespmem:s19+$0xFFFFFE50] =	vst v21;
	v20 =	vld.idx.msk [tilespmem:v27+s8+$0x0], $0xffff  }
0x11c: {  	v33 =	vadd.s32 v1, v13;
	[tilespmem:s19+$0xFFFFFE60] =	vst v22;
	v28 =	vld.idx.msk [tilespmem:v28+s8+$0x0], $0xffff  }
0x11d: {  	v34 =	vadd.s32 v1, v12;
	v16 =	vld.idx.msk [tilespmem:v16+s8+$0x0], $0xffff;
	[tilespmem:s19+$0xFFFFFE00] =	vst v17  }
0x11e: {  	v35 =	vadd.s32 v1, v11;
	[tilespmem:s19+$0xFFFFFEF0] =	vst v23;
	v37 =	vld.idx.msk [tilespmem:v63+s8+$0x0], $0xffff  }
0x11f: {  	v36 =	vadd.s32 v1, v10;
	[tilespmem:s19+$0xFFFFFE90] =	vst v18;
	v18 =	vld.idx.msk [tilespmem:v32+s8+$0x0], $0xffff  }
0x120: {  	v40 =	vadd.s32 v1, v8;
	[tilespmem:s19+$0xFFFFFEA0] =	vst v19;
	v17 =	vld.idx.msk [tilespmem:v62+s8+$0x0], $0xffff  }
0x121: {  	v39 =	vadd.s32 v1, v14;
	[tilespmem:s19+$0xFFFFFEB0] =	vst v20;
	v19 =	vld.idx.msk [tilespmem:v33+s8+$0x0], $0xffff  }
0x122: {  	v41 =	vadd.s32 v1, v9;
	[tilespmem:s19+$0xFFFFFED0] =	vst v28;
	v20 =	vld.idx.msk [tilespmem:v34+s8+$0x0], $0xffff  }
0x123: {  	v38 =	vadd.s32 v3, v15;
	[tilespmem:s19+$0xFFFFFEC0] =	vst v16;
	v16 =	vld.idx.msk [tilespmem:v35+s8+$0x0], $0xffff  }
0x124: {  	v42 =	vadd.s32 v3, v13;
	v24 =	vld.idx.msk [tilespmem:v36+s8+$0x0], $0xffff;
	[tilespmem:s19+$0xFFFFFE80] =	vst v37  }
0x125: {  	v44 =	vadd.s32 v3, v11;
	[tilespmem:s19+$0xFFFFFEE0] =	vst v18;
	v18 =	vld.idx.msk [tilespmem:v40+s8+$0x0], $0xffff  }
0x126: {  	[tilespmem:s19+$0xFFFFFF70] =	vst v17;
	v17 =	vadd.s32 v3, v12;
	v26 =	vld.idx.msk [tilespmem:v39+s8+$0x0], $0xffff  }
0x127: {  	v47 =	vadd.s32 v3, v10;
	[tilespmem:s19+$0xFFFFFF10] =	vst v19;
	v19 =	vld.idx.msk [tilespmem:v41+s8+$0x0], $0xffff  }
0x128: {  	v48 =	vadd.s32 v3, v8;
	[tilespmem:s19+$0xFFFFFF20] =	vst v20;
	v43 =	vld.idx.msk [tilespmem:v38+s8+$0x0], $0xffff  }
0x129: {  	v46 =	vadd.s32 v3, v14;
	v20 =	vld.idx.msk [tilespmem:v42+s8+$0x0], $0xffff;
	[tilespmem:s19+$0xFFFFFF30] =	vst v16  }
0x12a: {  	v45 =	vadd.s32 v4, v15;
	v25 =	vld.idx.msk [tilespmem:v44+s8+$0x0], $0xffff;
	[tilespmem:s19+$0xFFFFFF40] =	vst v24  }
0x12b: {  	[tilespmem:s19+$0xFFFFFF50] =	vst v18;
	v16 =	vld.idx.msk [tilespmem:v17+s8+$0x0], $0xffff;
	v17 =	vadd.s32 v3, v9  }
0x12c: {  	v49 =	vadd.s32 v4, v13;
	[tilespmem:s19+$0xFFFFFF00] =	vst v26;
	v18 =	vld.idx.msk [tilespmem:v47+s8+$0x0], $0xffff  }
0x12d: {  	v55 =	vadd.s32 v4, v11;
	[tilespmem:s19+$0xFFFFFF60] =	vst v19;
	v19 =	vld.idx.msk [tilespmem:v48+s8+$0x0], $0xffff  }
0x12e: {  	v51 =	vadd.s32 v4, v12;
	[tilespmem:s19+$0xFFFFFFF0] =	vst v43;
	v52 =	vld.idx.msk [tilespmem:v46+s8+$0x0], $0xffff  }
0x12f: {  	[tilespmem:s19+$0xFFFFFF90] =	vst v20;
	v20 =	vadd.s32 v4, v10;
	v50 =	vld.idx.msk [tilespmem:v45+s8+$0x0], $0xffff  }
0x130: {  	v54 =	vadd.s32 v4, v14;
	[tilespmem:s19+$0xFFFFFFB0] =	vst v25;
	v17 =	vld.idx.msk [tilespmem:v17+s8+$0x0], $0xffff  }
0x131: {  	v53 =	vadd.s32 v5, v15;
	[tilespmem:s19+$0xFFFFFFA0] =	vst v16;
	v16 =	vld.idx.msk [tilespmem:v49+s8+$0x0], $0xffff  }
0x132: {  	v56 =	vadd.s32 v4, v8;
	[tilespmem:s19+$0xFFFFFFC0] =	vst v18;
	v18 =	vld.idx.msk [tilespmem:v55+s8+$0x0], $0xffff  }
0x133: {  	v57 =	vadd.s32 v4, v9;
	[tilespmem:s19+$0xFFFFFFD0] =	vst v19;
	v27 =	vld.idx.msk [tilespmem:v51+s8+$0x0], $0xffff  }
0x134: {  	v58 =	vadd.s32 v5, v13;
	[tilespmem:s19+$0xFFFFFF80] =	vst v52;
	v19 =	vld.idx.msk [tilespmem:v20+s8+$0x0], $0xffff  }
0x135: {  	v62 =	vadd.s32 v5, v11;
	[tilespmem:s19+$0x70] =	vst v50;
	v59 =	vld.idx.msk [tilespmem:v54+s8+$0x0], $0xffff  }
0x136: {  	v20 =	vadd.s32 v5, v12;
	v21 =	vld.idx.msk [tilespmem:v53+s8+$0x0], $0xffff;
	[tilespmem:s19+$0xFFFFFFE0] =	vst v17  }
0x137: {  	v61 =	vadd.s32 v5, v14;
	v17 =	vld.idx.msk [tilespmem:v56+s8+$0x0], $0xffff;
	[tilespmem:s19+$0x10] =	vst v16  }
0x138: {  	v60 =	vadd.s32 v6, v15;
	[tilespmem:s19+$0x30] =	vst v18;
	v16 =	vld.idx.msk [tilespmem:v57+s8+$0x0], $0xffff  }
0x139: {  	v63 =	vadd.s32 v5, v10;
	v24 =	vld.idx.msk [tilespmem:v58+s8+$0x0], $0xffff;
	[tilespmem:s19+$0x20] =	vst v27  }
0x13a: {  	v30 =	vadd.s32 v5, v8;
	[tilespmem:s19+$0x40] =	vst v19;
	v19 =	vld.idx.msk [tilespmem:v62+s8+$0x0], $0xffff  }
0x13b: {  	v31 =	vadd.s32 v5, v9;
	[tilespmem:s19+$0x0] =	vst v59;
	v18 =	vld.idx.msk [tilespmem:v20+s8+$0x0], $0xffff  }
0x13c: {  	v33 =	vadd.s32 v6, v13;
	[tilespmem:s19+$0xF0] =	vst v21;
	v32 =	vld.idx.msk [tilespmem:v61+s8+$0x0], $0xffff  }
0x13d: {  	v34 =	vadd.s32 v6, v12;
	v23 =	vld.idx.msk [tilespmem:v60+s8+$0x0], $0xffff;
	[tilespmem:s19+$0x50] =	vst v17  }
0x13e: {  	v20 =	vadd.s32 v6, v14;
	v17 =	vld.idx.msk [tilespmem:v63+s8+$0x0], $0xffff;
	[tilespmem:s19+$0x60] =	vst v16  }
0x13f: {  	v15 =	vadd.s32 v7, v15;
	v16 =	vld.idx.msk [tilespmem:v30+s8+$0x0], $0xffff;
	[tilespmem:s19+$0x90] =	vst v24  }
0x140: {  	v35 =	vadd.s32 v6, v11;
	[tilespmem:s19+$0xB0] =	vst v19;
	v25 =	vld.idx.msk [tilespmem:v31+s8+$0x0], $0xffff  }
0x141: {  	v36 =	vadd.s32 v6, v10;
	[tilespmem:s19+$0xA0] =	vst v18;
	v18 =	vld.idx.msk [tilespmem:v33+s8+$0x0], $0xffff  }
0x142: {  	v13 =	vadd.s32 v7, v13;
	[tilespmem:s19+$0x80] =	vst v32;
	v19 =	vld.idx.msk [tilespmem:v34+s8+$0x0], $0xffff  }
0x143: {  	[tilespmem:s19+$0x170] =	vst v23;
	v20 =	vld.idx.msk [tilespmem:v20+s8+$0x0], $0xffff  }
0x144: {  	v38 =	vadd.s32 v6, v9;
	v37 =	vld.idx.msk [tilespmem:v15+s8+$0x0], $0xffff;
	[tilespmem:s19+$0xC0] =	vst v17  }
0x145: {  	v12 =	vadd.s32 v7, v12;
	v17 =	vld.idx.msk [tilespmem:v35+s8+$0x0], $0xffff;
	[tilespmem:s19+$0xD0] =	vst v16  }
0x146: {  	v16 =	vld.idx.msk [tilespmem:v36+s8+$0x0], $0xffff;
	[tilespmem:s19+$0x110] =	vst v18  }
0x147: {  	s31 =	sadd.s32 $0x80, s30;
	v15 =	vadd.s32 v6, v8;
	[tilespmem:s19+$0xE0] =	vst v25;
	v18 =	vld.idx.msk [tilespmem:v13+s8+$0x0], $0xffff  }
0x148: {  	v14 =	vadd.s32 v7, v14;
	[tilespmem:s19+$0x120] =	vst v19;
	v13 =	vld [tilespmem:s31+$0xFFFFFFC0]  }
0x149: {  	[tilespmem:s19+$0x100] =	vst v20;
	v20 =	vld.idx.msk [tilespmem:v38+s8+$0x0], $0xffff  }
0x14a: {  	v19 =	vld.idx.msk [tilespmem:v12+s8+$0x0], $0xffff  }
0x14b: {  	v12 =	vld [tilespmem:s31+$0xFFFFFFD0]  }
0x14c: {  	v11 =	vadd.s32 v7, v11;
	v39 =	vld.idx.msk [tilespmem:v15+s8+$0x0], $0xffff  }
0x14d: {  	v40 =	vld.idx.msk [tilespmem:v14+s8+$0x0], $0xffff  }
0x14e: {  	[tilespmem:s19+$0x130] =	vst v17;
	v17 =	vld [tilespmem:s31+$0x0]  }
0x14f: {  	v10 =	vadd.s32 v7, v10;
	v15 =	vld [tilespmem:s31+$0xFFFFFFA0]  }
0x150: {  	v14 =	vld [tilespmem:s31+$0xFFFFFFB0]  }
0x151: {  	v8 =	vadd.s32 v7, v8;
	v41 =	vld.idx.msk [tilespmem:v11+s8+$0x0], $0xffff  }
0x152: {  	v43 =	vadd.s32 v7, v9;
	[tilespmem:s19+$0x140] =	vst v16;
	v11 =	vld [tilespmem:s31+$0xFFFFFFF0]  }
0x153: {  	v16 =	vld [tilespmem:s31+$0xFFFFFF90];
	[tilespmem:s19+$0x160] =	vst v20;
	v20 =	vadd.s32 v2, v13  }
0x154: {  	v42 =	vld.idx.msk [tilespmem:v10+s8+$0x0], $0xffff;
	v29 =	vadd.s32 v2, v12  }
0x155: {  	v10 =	vld [tilespmem:s31+$0xFFFFFFE0];
	v44 =	vadd.s32 v2, v17;
	[tilespmem:s19+$0x150] =	vst v39  }
0x156: {  	v45 =	vadd.s32 v2, v15;
	v9 =	vld.idx.msk [tilespmem:v8+s8+$0x0], $0xffff  }
0x157: {  	v46 =	vadd.s32 v2, v14;
	v8 =	vld.idx.msk [tilespmem:v43+s8+$0x0], $0xffff  }
0x158: {  	[tilespmem:s19+$0x1F0] =	vst v37;
	v49 =	vadd.s32 v2, v11;
	v20 =	vld.idx.msk [tilespmem:v20+s8+$0x0], $0xffff  }
0x159: {  	[tilespmem:s19+$0x1A0] =	vst v19;
	v19 =	vadd.s32 v2, v16;
	v52 =	vld.idx.msk [tilespmem:v29+s8+$0x0], $0xffff  }
0x15a: {  	[tilespmem:s19+$0x190] =	vst v18;
	v47 =	vadd.s32 v2, v10;
	v26 =	vld.idx.msk [tilespmem:v44+s8+$0x0], $0xffff  }
0x15b: {  	v54 =	vadd.s32 v0, v13;
	[tilespmem:s19+$0x180] =	vst v40;
	v48 =	vld.idx.msk [tilespmem:v45+s8+$0x0], $0xffff  }
0x15c: {  	v55 =	vadd.s32 v0, v12;
	[tilespmem:s19+$0x1B0] =	vst v41;
	v18 =	vld.idx.msk [tilespmem:v46+s8+$0x0], $0xffff  }
0x15d: {  	s20 =	simm.s32 $0xCA00;
	v51 =	vadd.s32 v0, v15;
	[tilespmem:s19+$0x1C0] =	vst v42;
	v27 =	vld.idx.msk [tilespmem:v49+s8+$0x0], $0xffff  }
0x15e: {  	v50 =	vadd.s32 v0, v17;
	v19 =	vld.idx.msk [tilespmem:v19+s8+$0x0], $0xffff;
	[tilespmem:s20+$0xFFFFFE30] =	vst v20  }
0x15f: {  	v53 =	vadd.s32 v0, v14;
	v25 =	vld.idx.msk [tilespmem:v47+s8+$0x0], $0xffff;
	[tilespmem:s20+$0xFFFFFE40] =	vst v52  }
0x160: {  	v57 =	vadd.s32 v0, v16;
	[tilespmem:s20+$0xFFFFFE70] =	vst v26;
	v29 =	vld.idx.msk [tilespmem:v54+s8+$0x0], $0xffff  }
0x161: {  	v56 =	vadd.s32 v0, v10;
	[tilespmem:s20+$0xFFFFFE10] =	vst v48;
	v26 =	vld.idx.msk [tilespmem:v55+s8+$0x0], $0xffff  }
0x162: {  	v58 =	vadd.s32 v0, v11;
	[tilespmem:s20+$0xFFFFFE20] =	vst v18;
	v18 =	vld.idx.msk [tilespmem:v51+s8+$0x0], $0xffff  }
0x163: {  	v61 =	vadd.s32 v1, v13;
	v21 =	vld.idx.msk [tilespmem:v50+s8+$0x0], $0xffff;
	[tilespmem:s20+$0xFFFFFE60] =	vst v27  }
0x164: {  	v20 =	vadd.s32 v1, v17;
	v24 =	vld.idx.msk [tilespmem:v53+s8+$0x0], $0xffff;
	[tilespmem:s20+$0xFFFFFE00] =	vst v19  }
0x165: {  	v59 =	vadd.s32 v1, v15;
	[tilespmem:s20+$0xFFFFFE50] =	vst v25;
	v23 =	vld.idx.msk [tilespmem:v57+s8+$0x0], $0xffff  }
0x166: {  	v60 =	vadd.s32 v1, v14;
	v22 =	vld.idx.msk [tilespmem:v56+s8+$0x0], $0xffff;
	[tilespmem:s20+$0xFFFFFEB0] =	vst v29  }
0x167: {  	v63 =	vadd.s32 v1, v16;
	[tilespmem:s20+$0xFFFFFE90] =	vst v18;
	v18 =	vld.idx.msk [tilespmem:v58+s8+$0x0], $0xffff  }
0x168: {  	v32 =	vadd.s32 v1, v10;
	[tilespmem:s20+$0xFFFFFEF0] =	vst v21;
	v21 =	vld.idx.msk [tilespmem:v61+s8+$0x0], $0xffff  }
0x169: {  	[tilespmem:s20+$0xFFFFFEC0] =	vst v26;
	v19 =	vld.idx.msk [tilespmem:v20+s8+$0x0], $0xffff;
	v20 =	vadd.s32 v1, v12  }
0x16a: {  	v33 =	vadd.s32 v1, v11;
	[tilespmem:s20+$0xFFFFFEA0] =	vst v24;
	v25 =	vld.idx.msk [tilespmem:v59+s8+$0x0], $0xffff  }
0x16b: {  	v36 =	vadd.s32 v3, v13;
	v27 =	vld.idx.msk [tilespmem:v60+s8+$0x0], $0xffff;
	[tilespmem:s20+$0xFFFFFE80] =	vst v23  }
0x16c: {  	v62 =	vadd.s32 v3, v17;
	[tilespmem:s20+$0xFFFFFED0] =	vst v22;
	v28 =	vld.idx.msk [tilespmem:v63+s8+$0x0], $0xffff  }
0x16d: {  	v34 =	vadd.s32 v3, v15;
	[tilespmem:s20+$0xFFFFFEE0] =	vst v18;
	v18 =	vld.idx.msk [tilespmem:v32+s8+$0x0], $0xffff  }
0x16e: {  	v38 =	vadd.s32 v3, v16;
	[tilespmem:s20+$0xFFFFFF30] =	vst v21;
	v20 =	vld.idx.msk [tilespmem:v20+s8+$0x0], $0xffff  }
0x16f: {  	[tilespmem:s20+$0xFFFFFF70] =	vst v19;
	v19 =	vadd.s32 v3, v14;
	v26 =	vld.idx.msk [tilespmem:v33+s8+$0x0], $0xffff  }
0x170: {  	v40 =	vadd.s32 v3, v10;
	[tilespmem:s20+$0xFFFFFF10] =	vst v25;
	v24 =	vld.idx.msk [tilespmem:v36+s8+$0x0], $0xffff  }
0x171: {  	v39 =	vadd.s32 v3, v12;
	[tilespmem:s20+$0xFFFFFF20] =	vst v27;
	v35 =	vld.idx.msk [tilespmem:v62+s8+$0x0], $0xffff  }
0x172: {  	v37 =	vadd.s32 v4, v17;
	v22 =	vld.idx.msk [tilespmem:v34+s8+$0x0], $0xffff;
	[tilespmem:s20+$0xFFFFFF00] =	vst v28  }
0x173: {  	v41 =	vadd.s32 v4, v15;
	v29 =	vld.idx.msk [tilespmem:v38+s8+$0x0], $0xffff;
	[tilespmem:s20+$0xFFFFFF50] =	vst v18  }
0x174: {  	v44 =	vadd.s32 v4, v16;
	v19 =	vld.idx.msk [tilespmem:v19+s8+$0x0], $0xffff;
	[tilespmem:s20+$0xFFFFFF40] =	vst v20  }
0x175: {  	v20 =	vadd.s32 v3, v11;
	[tilespmem:s20+$0xFFFFFF60] =	vst v26;
	v21 =	vld.idx.msk [tilespmem:v40+s8+$0x0], $0xffff  }
0x176: {  	v42 =	vadd.s32 v4, v14;
	[tilespmem:s20+$0xFFFFFFF0] =	vst v35;
	v18 =	vld.idx.msk [tilespmem:v39+s8+$0x0], $0xffff  }
0x177: {  	v45 =	vadd.s32 v4, v13;
	[tilespmem:s20+$0xFFFFFF90] =	vst v22;
	v25 =	vld.idx.msk [tilespmem:v37+s8+$0x0], $0xffff  }
0x178: {  	v46 =	vadd.s32 v4, v10;
	v23 =	vld.idx.msk [tilespmem:v41+s8+$0x0], $0xffff;
	[tilespmem:s20+$0xFFFFFF80] =	vst v29  }
0x179: {  	v43 =	vadd.s32 v5, v17;
	[tilespmem:s20+$0xFFFFFFB0] =	vst v24;
	v27 =	vld.idx.msk [tilespmem:v44+s8+$0x0], $0xffff  }
0x17a: {  	v48 =	vadd.s32 v5, v15;
	[tilespmem:s20+$0xFFFFFFA0] =	vst v19;
	v19 =	vld.idx.msk [tilespmem:v20+s8+$0x0], $0xffff  }
0x17b: {  	v50 =	vadd.s32 v5, v16;
	[tilespmem:s20+$0xFFFFFFD0] =	vst v21;
	v28 =	vld.idx.msk [tilespmem:v42+s8+$0x0], $0xffff  }
0x17c: {  	v20 =	vadd.s32 v4, v12;
	[tilespmem:s20+$0xFFFFFFC0] =	vst v18;
	v18 =	vld.idx.msk [tilespmem:v45+s8+$0x0], $0xffff  }
0x17d: {  	v47 =	vadd.s32 v4, v11;
	v51 =	vld.idx.msk [tilespmem:v46+s8+$0x0], $0xffff;
	[tilespmem:s20+$0x70] =	vst v25  }
0x17e: {  	v54 =	vadd.s32 v5, v10;
	[tilespmem:s20+$0x10] =	vst v23;
	v26 =	vld.idx.msk [tilespmem:v43+s8+$0x0], $0xffff  }
0x17f: {  	v49 =	vadd.s32 v6, v17;
	v29 =	vld.idx.msk [tilespmem:v48+s8+$0x0], $0xffff;
	[tilespmem:s20+$0x0] =	vst v27  }
0x180: {  	v56 =	vadd.s32 v6, v15;
	v22 =	vld.idx.msk [tilespmem:v50+s8+$0x0], $0xffff;
	[tilespmem:s20+$0xFFFFFFE0] =	vst v19  }
0x181: {  	v20 =	vld.idx.msk [tilespmem:v20+s8+$0x0], $0xffff;
	v19 =	vadd.s32 v5, v14;
	[tilespmem:s20+$0x20] =	vst v28  }
0x182: {  	v52 =	vadd.s32 v5, v13;
	v25 =	vld.idx.msk [tilespmem:v47+s8+$0x0], $0xffff;
	[tilespmem:s20+$0x50] =	vst v51  }
0x183: {  	v53 =	vadd.s32 v5, v12;
	[tilespmem:s20+$0xF0] =	vst v26;
	v26 =	vld.idx.msk [tilespmem:v54+s8+$0x0], $0xffff  }
0x184: {  	v55 =	vadd.s32 v5, v11;
	[tilespmem:s20+$0x90] =	vst v29;
	v21 =	vld.idx.msk [tilespmem:v49+s8+$0x0], $0xffff  }
0x185: {  	v61 =	vadd.s32 v6, v10;
	[tilespmem:s20+$0x30] =	vst v18;
	v23 =	vld.idx.msk [tilespmem:v56+s8+$0x0], $0xffff  }
0x186: {  	v17 =	vadd.s32 v7, v17;
	[tilespmem:s20+$0x80] =	vst v22;
	v18 =	vld.idx.msk [tilespmem:v19+s8+$0x0], $0xffff  }
0x187: {  	[tilespmem:s20+$0x40] =	vst v20;
	v19 =	vadd.s32 v6, v16;
	v20 =	vld.idx.msk [tilespmem:v52+s8+$0x0], $0xffff  }
0x188: {  	v58 =	vadd.s32 v6, v14;
	v57 =	vld.idx.msk [tilespmem:v53+s8+$0x0], $0xffff;
	[tilespmem:s20+$0x60] =	vst v25  }
0x189: {  	v59 =	vadd.s32 v6, v13;
	v27 =	vld.idx.msk [tilespmem:v55+s8+$0x0], $0xffff;
	[tilespmem:s20+$0xD0] =	vst v26  }
0x18a: {  	v60 =	vadd.s32 v6, v12;
	[tilespmem:s20+$0x170] =	vst v21;
	v22 =	vld.idx.msk [tilespmem:v61+s8+$0x0], $0xffff  }
0x18b: {  	v15 =	vadd.s32 v7, v15;
	[tilespmem:s20+$0x110] =	vst v23;
	v17 =	vld.idx.msk [tilespmem:v17+s8+$0x0], $0xffff  }
0x18c: {  	v19 =	vld.idx.msk [tilespmem:v19+s8+$0x0], $0xffff;
	[tilespmem:s20+$0xA0] =	vst v18;
	v18 =	vadd.s32 v6, v11  }
0x18d: {  	[tilespmem:s20+$0xB0] =	vst v20;
	v20 =	vadd.s32 v7, v16;
	v25 =	vld.idx.msk [tilespmem:v58+s8+$0x0], $0xffff  }
0x18e: {  	v63 =	vadd.s32 v7, v14;
	[tilespmem:s20+$0xC0] =	vst v57;
	v62 =	vld.idx.msk [tilespmem:v59+s8+$0x0], $0xffff  }
0x18f: {  	v13 =	vadd.s32 v7, v13;
	v21 =	vld.idx.msk [tilespmem:v60+s8+$0x0], $0xffff;
	[tilespmem:s20+$0xE0] =	vst v27  }
0x190: {  	v15 =	vld.idx.msk [tilespmem:v15+s8+$0x0], $0xffff;
	[tilespmem:s20+$0x1F0] =	vst v17;
	v17 =	vadd.s32 v7, v12  }
0x191: {  	[tilespmem:s20+$0x100] =	vst v19;
	v16 =	vld.idx.msk [tilespmem:v18+s8+$0x0], $0xffff  }
0x192: {  	v14 =	vld.idx.msk [tilespmem:v20+s8+$0x0], $0xffff;
	[tilespmem:s20+$0x120] =	vst v25  }
0x193: {  	[tilespmem:s20+$0x130] =	vst v62;
	v18 =	vld.idx.msk [tilespmem:v63+s8+$0x0], $0xffff  }
0x194: {  	v13 =	vld.idx.msk [tilespmem:v13+s8+$0x0], $0xffff;
	[tilespmem:s20+$0x140] =	vst v21  }
0x195: {  	s18 =	sshllo.u32 s18, $0x1;
	s22 =	sadd.s32 $0x80, s31;
	s21 =	simm.s32 $0x8;
	v11 =	vadd.s32 v7, v11;
	[tilespmem:s20+$0x150] =	vst v22;
	v12 =	vadd.s32 v7, v10;
	v17 =	vld.idx.msk [tilespmem:v17+s8+$0x0], $0xffff  }
.LBB2_6:
0x196: {  	v10 =	vld [tilespmem:s22+$0x0];
	s21 =	sadd.s32 $0x8, s21;
	[tilespmem:s20+$0x160] =	vst v16  }
0x197: {  	v21 =	vld [tilespmem:s22+$0xFFFFFFA0];
	p1 =	slt.u32 s21, $0xF8;
	[tilespmem:s20+$0x180] =	vst v14  }
0x198: {  	v25 =	vld [tilespmem:s22+$0xFFFFFFB0];
	[tilespmem:s20+$0x190] =	vst v15  }
0x199: {  	v26 =	vld [tilespmem:s22+$0xFFFFFFC0];
	[tilespmem:s20+$0x1A0] =	vst v18  }
0x19a: {  	v27 =	vld [tilespmem:s22+$0xFFFFFFD0];
	[tilespmem:s20+$0x1B0] =	vst v13  }
0x19b: {  	v28 =	vld [tilespmem:s22+$0xFFFFFFE0];
	v13 =	vadd.s32 v2, v10;
	[tilespmem:s20+$0x1C0] =	vst v17  }
0x19c: {  	v14 =	vadd.s32 v2, v21;
	v15 =	vadd.s32 v0, v21;
	v17 =	vadd.s32 v1, v21;
	v29 =	vld [tilespmem:s22+$0xFFFFFFF0];
	[tilespmem:s19+$0x1D0] =	vst v9  }
0x19d: {  	v20 =	vld [tilespmem:s22+$0xFFFFFF90];
	v16 =	vadd.s32 v2, v25;
	v18 =	vadd.s32 v0, v25;
	v30 =	vadd.s32 v1, v25;
	[tilespmem:s19+$0x1E0] =	vst v8;
	s19 =	smov.u32 s20  }
0x19e: {  	v19 =	vadd.s32 v2, v26;
	v22 =	vadd.s32 v0, v26;
	v31 =	vadd.s32 v1, v26;
	v9 =	vld.idx.msk [tilespmem:v12+s8+$0x0], $0xffff  }
0x19f: {  	v12 =	vadd.s32 v2, v27;
	v23 =	vadd.s32 v0, v27;
	v32 =	vadd.s32 v1, v27;
	v8 =	vld.idx.msk [tilespmem:v11+s8+$0x0], $0xffff  }
0x1a0: {  	v11 =	vadd.s32 v2, v28;
	v24 =	vadd.s32 v0, v28;
	v33 =	vadd.s32 v1, v28;
	v13 =	vld.idx.msk [tilespmem:v13+s8+$0x0], $0xffff  }
0x1a1: {  	v14 =	vld.idx.msk [tilespmem:v14+s8+$0x0], $0xffff;
	v34 =	vadd.s32 v2, v29;
	v35 =	vadd.s32 v0, v29;
	v36 =	vadd.s32 v1, v29  }
0x1a2: {  	v39 =	vadd.s32 v0, v10;
	v37 =	vadd.s32 v2, v20;
	v38 =	vadd.s32 v0, v20;
	v16 =	vld.idx.msk [tilespmem:v16+s8+$0x0], $0xffff  }
0x1a3: {  	v42 =	vadd.s32 v3, v21;
	v40 =	vadd.s32 v1, v20;
	v41 =	vadd.s32 v3, v20;
	v19 =	vld.idx.msk [tilespmem:v19+s8+$0x0], $0xffff  }
0x1a4: {  	v43 =	vadd.s32 v3, v25;
	v44 =	vadd.s32 v3, v26;
	v45 =	vadd.s32 v3, v27;
	v12 =	vld.idx.msk [tilespmem:v12+s8+$0x0], $0xffff  }
0x1a5: {  	s20 =	sadd.s32 $0x400, s20;
	v47 =	vadd.s32 v3, v28;
	v48 =	vadd.s32 v3, v29;
	v46 =	vadd.s32 v4, v20;
	v11 =	vld.idx.msk [tilespmem:v11+s8+$0x0], $0xffff  }
0x1a6: {  	v49 =	vadd.s32 v4, v21;
	v50 =	vadd.s32 v4, v25;
	v34 =	vld.idx.msk [tilespmem:v34+s8+$0x0], $0xffff;
	[tilespmem:s20+$0xFFFFFE70] =	vst v13  }
0x1a7: {  	v51 =	vadd.s32 v4, v26;
	v52 =	vadd.s32 v4, v27;
	[tilespmem:s20+$0xFFFFFE10] =	vst v14;
	v13 =	vld.idx.msk [tilespmem:v39+s8+$0x0], $0xffff  }
0x1a8: {  	v53 =	vadd.s32 v4, v29;
	v39 =	vadd.s32 v4, v28;
	v37 =	vld.idx.msk [tilespmem:v37+s8+$0x0], $0xffff;
	[tilespmem:s20+$0xFFFFFE20] =	vst v16  }
0x1a9: {  	v54 =	vadd.s32 v5, v20;
	v15 =	vld.idx.msk [tilespmem:v15+s8+$0x0], $0xffff;
	[tilespmem:s20+$0xFFFFFE30] =	vst v19;
	v19 =	vadd.s32 v1, v10  }
0x1aa: {  	v55 =	vadd.s32 v5, v21;
	v57 =	vadd.s32 v5, v25;
	v56 =	vld.idx.msk [tilespmem:v18+s8+$0x0], $0xffff;
	[tilespmem:s20+$0xFFFFFE40] =	vst v12  }
0x1ab: {  	v58 =	vadd.s32 v5, v26;
	v59 =	vadd.s32 v5, v27;
	v12 =	vld.idx.msk [tilespmem:v22+s8+$0x0], $0xffff;
	[tilespmem:s20+$0xFFFFFE50] =	vst v11  }
0x1ac: {  	v60 =	vadd.s32 v5, v28;
	v11 =	vld.idx.msk [tilespmem:v23+s8+$0x0], $0xffff;
	[tilespmem:s20+$0xFFFFFE60] =	vst v34;
	v34 =	vadd.s32 v5, v29  }
0x1ad: {  	v14 =	vadd.s32 v6, v21;
	v22 =	vadd.s32 v6, v20;
	v61 =	vld.idx.msk [tilespmem:v24+s8+$0x0], $0xffff;
	[tilespmem:s20+$0xFFFFFEF0] =	vst v13  }
0x1ae: {  	v16 =	vadd.s32 v6, v26;
	v23 =	vadd.s32 v6, v25;
	[tilespmem:s20+$0xFFFFFE00] =	vst v37;
	v37 =	vld.idx.msk [tilespmem:v19+s8+$0x0], $0xffff  }
0x1af: {  	v18 =	vadd.s32 v6, v28;
	v24 =	vadd.s32 v6, v27;
	v38 =	vld.idx.msk [tilespmem:v38+s8+$0x0], $0xffff;
	[tilespmem:s20+$0xFFFFFE90] =	vst v15  }
0x1b0: {  	v19 =	vadd.s32 v6, v29;
	[tilespmem:s20+$0xFFFFFEA0] =	vst v56;
	v35 =	vld.idx.msk [tilespmem:v35+s8+$0x0], $0xffff;
	v56 =	vadd.s32 v3, v10  }
0x1b1: {  	v20 =	vadd.s32 v7, v20;
	v15 =	vadd.s32 v7, v21;
	v62 =	vld.idx.msk [tilespmem:v17+s8+$0x0], $0xffff;
	[tilespmem:s20+$0xFFFFFEB0] =	vst v12  }
0x1b2: {  	v13 =	vadd.s32 v7, v26;
	v21 =	vadd.s32 v7, v25;
	v30 =	vld.idx.msk [tilespmem:v30+s8+$0x0], $0xffff;
	[tilespmem:s20+$0xFFFFFEC0] =	vst v11  }
0x1b3: {  	v17 =	vadd.s32 v7, v27;
	v12 =	vadd.s32 v7, v28;
	v25 =	vld.idx.msk [tilespmem:v31+s8+$0x0], $0xffff;
	[tilespmem:s20+$0xFFFFFED0] =	vst v61  }
0x1b4: {  	v11 =	vadd.s32 v7, v29;
	v26 =	vld.idx.msk [tilespmem:v32+s8+$0x0], $0xffff;
	[tilespmem:s20+$0xFFFFFF70] =	vst v37  }
0x1b5: {  	[tilespmem:s20+$0xFFFFFE80] =	vst v38;
	v27 =	vld.idx.msk [tilespmem:v56+s8+$0x0], $0xffff  }
0x1b6: {  	v28 =	vld.idx.msk [tilespmem:v40+s8+$0x0], $0xffff;
	[tilespmem:s20+$0xFFFFFEE0] =	vst v35  }
0x1b7: {  	v31 =	vadd.s32 v4, v10;
	[tilespmem:s20+$0xFFFFFF10] =	vst v62;
	v29 =	vld.idx.msk [tilespmem:v33+s8+$0x0], $0xffff  }
0x1b8: {  	[tilespmem:s20+$0xFFFFFF20] =	vst v30;
	v30 =	vld.idx.msk [tilespmem:v36+s8+$0x0], $0xffff  }
0x1b9: {  	v32 =	vld.idx.msk [tilespmem:v42+s8+$0x0], $0xffff;
	[tilespmem:s20+$0xFFFFFF30] =	vst v25  }
0x1ba: {  	v25 =	vld.idx.msk [tilespmem:v43+s8+$0x0], $0xffff;
	[tilespmem:s20+$0xFFFFFF40] =	vst v26  }
0x1bb: {  	v26 =	vld.idx.msk [tilespmem:v44+s8+$0x0], $0xffff;
	[tilespmem:s20+$0xFFFFFFF0] =	vst v27  }
0x1bc: {  	[tilespmem:s20+$0xFFFFFF00] =	vst v28;
	v27 =	vld.idx.msk [tilespmem:v31+s8+$0x0], $0xffff  }
0x1bd: {  	v28 =	vld.idx.msk [tilespmem:v41+s8+$0x0], $0xffff;
	[tilespmem:s20+$0xFFFFFF50] =	vst v29  }
0x1be: {  	v29 =	vld.idx.msk [tilespmem:v45+s8+$0x0], $0xffff;
	[tilespmem:s20+$0xFFFFFF60] =	vst v30;
	v30 =	vadd.s32 v5, v10  }
0x1bf: {  	[tilespmem:s20+$0xFFFFFF90] =	vst v32;
	v31 =	vld.idx.msk [tilespmem:v47+s8+$0x0], $0xffff  }
0x1c0: {  	[tilespmem:s20+$0xFFFFFFA0] =	vst v25;
	v25 =	vld.idx.msk [tilespmem:v48+s8+$0x0], $0xffff  }
0x1c1: {  	v32 =	vld.idx.msk [tilespmem:v49+s8+$0x0], $0xffff;
	[tilespmem:s20+$0xFFFFFFB0] =	vst v26  }
0x1c2: {  	v26 =	vld.idx.msk [tilespmem:v50+s8+$0x0], $0xffff;
	[tilespmem:s20+$0x70] =	vst v27  }
0x1c3: {  	[tilespmem:s20+$0xFFFFFF80] =	vst v28;
	v27 =	vld.idx.msk [tilespmem:v30+s8+$0x0], $0xffff  }
0x1c4: {  	v28 =	vld.idx.msk [tilespmem:v46+s8+$0x0], $0xffff;
	[tilespmem:s20+$0xFFFFFFC0] =	vst v29  }
0x1c5: {  	v30 =	vadd.s32 v6, v10;
	v29 =	vld.idx.msk [tilespmem:v51+s8+$0x0], $0xffff;
	[tilespmem:s20+$0xFFFFFFD0] =	vst v31  }
0x1c6: {  	v31 =	vld.idx.msk [tilespmem:v52+s8+$0x0], $0xffff;
	[tilespmem:s20+$0xFFFFFFE0] =	vst v25  }
0x1c7: {  	[tilespmem:s20+$0x10] =	vst v32;
	v25 =	vld.idx.msk [tilespmem:v39+s8+$0x0], $0xffff  }
0x1c8: {  	[tilespmem:s20+$0x20] =	vst v26;
	v26 =	vld.idx.msk [tilespmem:v53+s8+$0x0], $0xffff  }
0x1c9: {  	v32 =	vld.idx.msk [tilespmem:v55+s8+$0x0], $0xffff;
	[tilespmem:s20+$0xF0] =	vst v27  }
0x1ca: {  	[tilespmem:s20+$0x0] =	vst v28;
	v27 =	vld.idx.msk [tilespmem:v30+s8+$0x0], $0xffff  }
0x1cb: {  	v28 =	vld.idx.msk [tilespmem:v54+s8+$0x0], $0xffff;
	[tilespmem:s20+$0x30] =	vst v29  }
0x1cc: {  	v10 =	vadd.s32 v7, v10;
	v29 =	vld.idx.msk [tilespmem:v57+s8+$0x0], $0xffff;
	[tilespmem:s20+$0x40] =	vst v31  }
0x1cd: {  	v30 =	vld.idx.msk [tilespmem:v58+s8+$0x0], $0xffff;
	[tilespmem:s20+$0x50] =	vst v25  }
0x1ce: {  	v25 =	vld.idx.msk [tilespmem:v59+s8+$0x0], $0xffff;
	[tilespmem:s20+$0x60] =	vst v26  }
0x1cf: {  	[tilespmem:s20+$0x90] =	vst v32;
	v26 =	vld.idx.msk [tilespmem:v60+s8+$0x0], $0xffff  }
0x1d0: {  	v31 =	vld.idx.msk [tilespmem:v34+s8+$0x0], $0xffff;
	[tilespmem:s20+$0x170] =	vst v27  }
0x1d1: {  	[tilespmem:s20+$0x80] =	vst v28;
	v10 =	vld.idx.msk [tilespmem:v10+s8+$0x0], $0xffff  }
0x1d2: {  	v22 =	vld.idx.msk [tilespmem:v22+s8+$0x0], $0xffff;
	[tilespmem:s20+$0xA0] =	vst v29  }
0x1d3: {  	v27 =	vld.idx.msk [tilespmem:v14+s8+$0x0], $0xffff;
	[tilespmem:s20+$0xB0] =	vst v30  }
0x1d4: {  	v23 =	vld.idx.msk [tilespmem:v23+s8+$0x0], $0xffff;
	[tilespmem:s20+$0xC0] =	vst v25  }
0x1d5: {  	v25 =	vld.idx.msk [tilespmem:v16+s8+$0x0], $0xffff;
	[tilespmem:s20+$0xD0] =	vst v26  }
0x1d6: {  	v24 =	vld.idx.msk [tilespmem:v24+s8+$0x0], $0xffff;
	[tilespmem:s20+$0xE0] =	vst v31  }
0x1d7: {  	v26 =	vld.idx.msk [tilespmem:v18+s8+$0x0], $0xffff;
	[tilespmem:s20+$0x1F0] =	vst v10  }
0x1d8: {  	[tilespmem:s20+$0x100] =	vst v22;
	v16 =	vld.idx.msk [tilespmem:v19+s8+$0x0], $0xffff  }
.Ltmp1:
0x1d9: {  	v14 =	vld.idx.msk [tilespmem:v20+s8+$0x0], $0xffff;
	[tilespmem:s20+$0x110] =	vst v27;
	(pc) =	sbr.rel @p1 .LBB2_6-.Ltmp1, $4  }
0x1da: {  	v15 =	vld.idx.msk [tilespmem:v15+s8+$0x0], $0xffff;
	[tilespmem:s20+$0x120] =	vst v23  }
0x1db: {  	v18 =	vld.idx.msk [tilespmem:v21+s8+$0x0], $0xffff;
	[tilespmem:s20+$0x130] =	vst v25  }
0x1dc: {  	v13 =	vld.idx.msk [tilespmem:v13+s8+$0x0], $0xffff;
	[tilespmem:s20+$0x140] =	vst v24  }
0x1dd: {  	s22 =	sadd.s32 $0x80, s22;
	v17 =	vld.idx.msk [tilespmem:v17+s8+$0x0], $0xffff;
	[tilespmem:s20+$0x150] =	vst v26  }
0x1de: {  	_ = 	snop  }
0x1df: {  	[tilespmem:s20+$0x160] =	vst v16  }
0x1e0: {  	[tilespmem:s20+$0x180] =	vst v14  }
0x1e1: {  	[tilespmem:s19+$0x1D0] =	vst v9  }
0x1e2: {  	v10 =	vld.idx.msk [tilespmem:v12+s8+$0x0], $0xffff;
	[tilespmem:s19+$0x1E0] =	vst v8  }
0x1e3: {  	[tilespmem:s20+$0x190] =	vst v15;
	v11 =	vld.idx.msk [tilespmem:v11+s8+$0x0], $0xffff  }
0x1e4: {  	[tilespmem:s20+$0x1A0] =	vst v18  }
0x1e5: {  	s18 =	sshll.u32 s18, $0xF;
	[tilespmem:s20+$0x1B0] =	vst v13  }
.Ltmp2:
0x1e6: {  	s18 =	sor.u32 s17, s18;
	[tilespmem:s20+$0x1C0] =	vst v17;
	(pc) =	sbr.rel @p0 .LBB2_3-.Ltmp2, $4  }
0x1e7: {  	s18 =	sshrl.u32 s18, $0x3;
	[tilespmem:s20+$0x1D0] =	vst v10  }
0x1e8: {  	s18 =	sadd.s32 s1, s18;
	[tilespmem:s20+$0x1E0] =	vst v11  }
0x1e9: {  	[hbm4b:s18+s2] =	stream.linear.scatter [tilespmem:s11], [sflag:$0x2], $0x8000, $0x38;
	[tilespmem:$0x14400] =	vst v63  }
0x1ea: {  	p2 =	por $0x0, $0x0;
	p1 =	por $0x1, $0x1;
	s18 =	simm.s32 $0x1  }
0x1eb: {  	s15 =	sadd.s32 $0x1, s15  }
0x1ec: {  	p0 =	sne.s32 s15, $0x19  }
.Ltmp3:
0x1ed: {  	_ = 	snop;
	(pc) =	sbr.rel @p0 .LBB2_2-.Ltmp3, $1  }
0x1ee: {  	_ =	sdelay $0x3  }
0x1ef: {  	s14 =	sadd.s32 $0x1, s14  }
0x1f0: {  	_ =	swait.ge [sflag:s12], $0x8000;
	p0 =	sne.s32 s14, s7  }
.Ltmp4:
0x1f1: {  	[sflag:s12] =	ssyncset.done $0x0;
	(pc) =	sbr.rel @p0 .LBB2_1-.Ltmp4, $4  }
0x1f2: {  	[sflag:s12] =	ssyncadd.s32 $0xFFFF8000  }
0x1f3: {  	_ =	swait.ge [sflag:s13], $0x8000  }
0x1f4: {  	[sflag:s13] =	ssyncset.done $0x0  }
0x1f5: {  	[sflag:s13] =	ssyncadd.s32 $0xFFFF8000  }
0x1f6: {  	_ =	sfence.sel $0x180000  }
0x1f7: {  	[bflag:$0x0] =	sbarrier.arrive $0xFFFF  }
0x1f8: {  	p0 =	sne.s32 s3, $0x0;
	_ =	strace $0x90000047  }
0x1f9: {  	s0 =	sadd.s32 @!p0 $0x100000, s0;
	[bflag:$0x2] =	sbarrier.arrive $0xFFFF  }
0x1fa: {  	[sflag:s0] =	ssyncadd.tile.s32 @!p0 $0x1;
	_ =	shalt  }
.Lfunc_end2:
_tile_overlayer_lowered:
.L_overlay_start_2:
0x1fb: {  	(tag) =	ssettag $0x2  }
0x1fc: {  	s0 =	rddreg [dreg:$0x0];
	s2 =	stileid.u32  }
0x1fd: {  	s1 =	rddreg [dreg:$0x1];
	p0 =	sne.s32 s2, $0x0  }
0x1fe: {  	s3 =	rddreg [dreg:$0x2];
	[bflag:$0x3] =	sbarrier.arrive $0xFFFF;
	s2 =	simm.s32 @!p0 $0x1C03  }
0x1ff: {  	[timem:s3], [sflag:s2] =	dma.local @!p0 [hbm:s0], s1  }
0x200: {  	s0 =	simm.s32 @!p0 $0x3  }
0x201: {  	_ =	swait.ge @!p0 [sflag:s0], s1  }
0x202: {  	s1 =	ssub.s32 @!p0 $0x0, s1;
	[sflag:s0] =	ssyncset.done @!p0 $0x0  }
0x203: {  	[sflag:s0] =	ssyncadd.s32 @!p0 s1  }
0x204: {  	[bflag:$0x3] =	sbarrier.arrive $0xFFFF  }
0x205: {  	_ =	shalt  }

</sc_bundles>
